<compile_context>
chip_gen: v7x
topology: tpu7x:2x2x1
jax: 0.10.2.dev20260603
libtpu: 0.0.44.dev20260713+nightly
codegen_flags: <defaults>
</compile_context>

<pallas_src>
import jax
import jax.numpy as jnp
from jax import lax
from jax.experimental import pallas as pl
from jax.experimental.pallas import tpu as pltpu
from jax.experimental.pallas import tpu_sc as plsc

N, E, A, B = 16384, 2048, 512, 16
RB = 1024
CB = 4096
NBC = N // CB
NB = N // RB
AP = A + 128

NC, NS, L = 2, 16, 16
NW = NC * NS
CH = N // NW


def _pass_a(x_ref, w_ref, bi_ref, out_ref, col_ref, bs_ref):
    x = x_ref[...].astype(jnp.bfloat16)
    w = w_ref[...]
    dn = (((1,), (0,)), ((), ()))
    acts = jax.lax.dot_general(x, w, dn,
                               preferred_element_type=jnp.float32)
    out_ref[...] = acts[:, :A].astype(jnp.bfloat16)
    dsv = acts[:, A:A + 1]
    col_ref[...] = dsv
    bi = bi_ref[0]
    oh = bi == jax.lax.broadcasted_iota(jnp.int32, (RB, B), 1)
    sb = jnp.sum(jnp.where(oh, jnp.exp(dsv), 0.0), axis=0)
    bs_ref[...] = sb.reshape(1, 1, B)


def _take16(v, idx):
    return lax.gather(
        v, idx.reshape(L, 1),
        lax.GatherDimensionNumbers(
            offset_dims=(), collapsed_slice_dims=(0,), start_index_map=(0,)),
        slice_sizes=(1,),
        mode=lax.GatherScatterMode.PROMISE_IN_BOUNDS)


def _sc_body(bs_hbm, bi_hbm, sg_hbm, bsv, biv, sgv):
    pltpu.sync_copy(bs_hbm, bsv)
    s = bsv[0]
    for blk in range(1, NB):
        s = s + bsv[blk]
    wid = lax.axis_index("s") * NC + lax.axis_index("c")
    base = wid * CH
    pltpu.sync_copy(bi_hbm.at[pl.ds(base, CH)], biv)
    for j in range(CH // L):
        idx = biv[pl.ds(j * L, L)]
        sgv[pl.ds(j * L, L)] = _take16(s, idx)
    pltpu.sync_copy(sgv, sg_hbm.at[pl.ds(base, CH)])


def _pass_c(part_ref, col_ref, sg_ref, out_ref):
    a = part_ref[...].astype(jnp.float32)
    esum = jnp.sum(jnp.exp(a), axis=1, keepdims=True)
    corr = col_ref[...] - jnp.log(esum * sg_ref[...])
    out_ref[...] = a + corr


def kernel(embed_states, batch_index, W_dev, b_dev, W_act, b_act):
    wc = jnp.concatenate([W_act, W_dev], axis=1)
    wc = jnp.pad(wc, ((0, 0), (0, AP - (A + 1)))).astype(jnp.bfloat16)
    bi3 = batch_index.reshape(NB, RB, 1)

    part, col_a, bs = pl.pallas_call(
        _pass_a,
        grid=(NB,),
        in_specs=[
            pl.BlockSpec((RB, E), lambda i: (i, 0)),
            pl.BlockSpec((E, AP), lambda i: (0, 0)),
            pl.BlockSpec((1, RB, 1), lambda i: (i, 0, 0)),
        ],
        out_specs=[
            pl.BlockSpec((RB, A), lambda i: (i, 0)),
            pl.BlockSpec((RB, 1), lambda i: (i, 0)),
            pl.BlockSpec((1, 1, B), lambda i: (i, 0, 0)),
        ],
        out_shape=[
            jax.ShapeDtypeStruct((N, A), jnp.bfloat16),
            jax.ShapeDtypeStruct((N, 1), jnp.float32),
            jax.ShapeDtypeStruct((NB, 1, B), jnp.float32),
        ],
        compiler_params=pltpu.CompilerParams(
            dimension_semantics=("parallel",)),
    )(embed_states, wc, bi3)

    sc_fn = pl.kernel(
        _sc_body,
        out_type=jax.ShapeDtypeStruct((N,), jnp.float32),
        scratch_types=[
            pltpu.VMEM((NB, B), jnp.float32),
            pltpu.VMEM((CH,), jnp.int32),
            pltpu.VMEM((CH,), jnp.float32),
        ],
        mesh=plsc.VectorSubcoreMesh(core_axis_name="c", subcore_axis_name="s"),
    )
    sg = sc_fn(bs.reshape(NB, B), batch_index)

    out = pl.pallas_call(
        _pass_c,
        grid=(NBC,),
        in_specs=[
            pl.BlockSpec((CB, A), lambda i: (i, 0)),
            pl.BlockSpec((CB, 1), lambda i: (i, 0)),
            pl.BlockSpec((CB, 1), lambda i: (i, 0)),
        ],
        out_specs=pl.BlockSpec((CB, A), lambda i: (i, 0)),
        out_shape=jax.ShapeDtypeStruct((N, A), jnp.float32),
        compiler_params=pltpu.CompilerParams(
            dimension_semantics=("parallel",)),
    )(part, col_a, sg.reshape(N, 1))
    return out

# --- scband reference (transcript-rebuilt; emitter-appended) ---
"""Pipeline reference for scband-actor-80977313399117 (READ-ONLY COPY).

The authoritative reference and input builder live on the scoring server;
editing this copy changes nothing except your own understanding.
"""

import jax, jax.numpy as jnp
import numpy as np

N = 16384
E = 2048
A = 512
B = 16


def setup_inputs(seed: int = 0) -> dict:
    key = jax.random.key(seed)
    k1, k2, k3, k4 = jax.random.split(key, 4)
    embed_states = jax.random.normal(k1, (N, E), dtype=jnp.float32)
    batch_index = jnp.sort(jax.random.randint(k2, (N,), 0, B)).astype(jnp.int32)
    W_dev = jax.random.normal(k3, (E, 1), dtype=jnp.float32) * 0.02
    b_dev = jnp.zeros((1,), dtype=jnp.float32)
    W_act = jax.random.normal(k4, (E, A), dtype=jnp.float32) * 0.02
    b_act = jnp.zeros((A,), dtype=jnp.float32)
    return {
        "embed_states": embed_states,
        "batch_index": batch_index,
        "W_dev": W_dev,
        "b_dev": b_dev,
        "W_act": W_act,
        "b_act": b_act,
    }


def _scatter_log_softmax(x, seg_ids, num_segments):
    # per-segment numerically-stable log-softmax over a flat ragged vector
    seg_max = jax.ops.segment_max(x, seg_ids, num_segments=num_segments)
    seg_max = jax.lax.stop_gradient(seg_max)
    shifted = x - seg_max[seg_ids]
    seg_sum = jax.ops.segment_sum(jnp.exp(shifted), seg_ids, num_segments=num_segments)
    return shifted - jnp.log(seg_sum)[seg_ids]


def reference(embed_states, batch_index, W_dev, b_dev, W_act, b_act):
    # _device_select: Linear(E, 1)
    device_select = embed_states @ W_dev + b_dev  # [N, 1]
    # _action_select: Linear(E, A)
    action_select = embed_states @ W_act + b_act  # [N, A]
    # b = batch_index.unique().numel() > 1 path: scatter_log_softmax over groups
    ds = device_select[:, 0]  # squeeze
    log_prob_dev = _scatter_log_softmax(ds, batch_index, B).reshape(-1, 1)  # [N, 1]
    log_prob_act = jax.nn.log_softmax(action_select, axis=-1)  # [N, A]
    return log_prob_act + log_prob_dev

if __name__ == "__main__":
    import jax
    _d = setup_inputs()
    print(jax.jit(kernel)(*tuple(_d.values())))

</pallas_src>

<mosaic_0001>
#map = affine_map<(d0, d1) -> (0, 0)>
#map1 = affine_map<(d0, d1) -> (0)>
module attributes {stable_mosaic.version = 14 : i64} {
  func.func @_sc_body(%arg0: i32, %arg1: i32, %arg2: memref<16x16xf32, #tpu.memory_space<hbm>>, %arg3: memref<16384xi32, #tpu.memory_space<hbm>>, %arg4: memref<16384xf32, #tpu.memory_space<hbm>>, %arg5: memref<16x16xf32, #tpu.memory_space<vmem>>, %arg6: memref<512xi32, #tpu.memory_space<vmem>>, %arg7: memref<512xf32, #tpu.memory_space<vmem>>) attributes {dimension_semantics = [#tpu.dimension_semantics<core_parallel>, #tpu.dimension_semantics<subcore_parallel>], iteration_bounds = array<i64: 2, 16>, scalar_prefetch = 0 : i64, scratch_operands = 3 : i64, tpu.core_type = #tpu.core_type<sc_vector_subcore>, window_params = [{transform_indices = #map}, {transform_indices = #map1}, {transform_indices = #map1}]} {
    "tpu.region"() ({
      %run_scoped3A = tpu.sem_alloc : memref<!tpu.dma_semaphore, #tpu.memory_space<semaphore_mem>>
      tpu.enqueue_dma source(%arg2 : memref<16x16xf32, #tpu.memory_space<hbm>>) target(%arg5 : memref<16x16xf32, #tpu.memory_space<vmem>>) target_semaphore(%run_scoped3A : memref<!tpu.dma_semaphore, #tpu.memory_space<semaphore_mem>>)
      tpu.wait_dma2 semaphore(%run_scoped3A : memref<!tpu.dma_semaphore, #tpu.memory_space<semaphore_mem>>) src(%arg2 : memref<16x16xf32, #tpu.memory_space<hbm>>) dst(%arg5 : memref<16x16xf32, #tpu.memory_space<vmem>>)
      tpu.yield
    }) : () -> ()
    %get3A = arith.constant 0 : i32
    %get3A_0 = arith.index_cast %get3A : i32 to index
    %get3A_1 = arith.constant 0 : index
    %get3A_2 = tpu.vector_load %arg5[%get3A_0, %get3A_1] {strides = array<i32>} : memref<16x16xf32, #tpu.memory_space<vmem>>, vector<1x16xf32>,
    %get3A_3 = vector.shape_cast %get3A_2 : vector<1x16xf32> to vector<16xf32>
    %get3A_4 = arith.constant 1 : i32
    %get3A_5 = arith.index_cast %get3A_4 : i32 to index
    %get3A_6 = arith.constant 0 : index
    %get3A_7 = tpu.vector_load %arg5[%get3A_5, %get3A_6] {strides = array<i32>} : memref<16x16xf32, #tpu.memory_space<vmem>>, vector<1x16xf32>,
    %get3A_8 = vector.shape_cast %get3A_7 : vector<1x16xf32> to vector<16xf32>
    %add3A = arith.addf %get3A_3, %get3A_8 : vector<16xf32>
    %get3A_9 = arith.constant 2 : i32
    %get3A_10 = arith.index_cast %get3A_9 : i32 to index
    %get3A_11 = arith.constant 0 : index
    %get3A_12 = tpu.vector_load %arg5[%get3A_10, %get3A_11] {strides = array<i32>} : memref<16x16xf32, #tpu.memory_space<vmem>>, vector<1x16xf32>,
    %get3A_13 = vector.shape_cast %get3A_12 : vector<1x16xf32> to vector<16xf32>
    %add3A_14 = arith.addf %add3A, %get3A_13 : vector<16xf32>
    %get3A_15 = arith.constant 3 : i32
    %get3A_16 = arith.index_cast %get3A_15 : i32 to index
    %get3A_17 = arith.constant 0 : index
    %get3A_18 = tpu.vector_load %arg5[%get3A_16, %get3A_17] {strides = array<i32>} : memref<16x16xf32, #tpu.memory_space<vmem>>, vector<1x16xf32>,
    %get3A_19 = vector.shape_cast %get3A_18 : vector<1x16xf32> to vector<16xf32>
    %add3A_20 = arith.addf %add3A_14, %get3A_19 : vector<16xf32>
    %get3A_21 = arith.constant 4 : i32
    %get3A_22 = arith.index_cast %get3A_21 : i32 to index
    %get3A_23 = arith.constant 0 : index
    %get3A_24 = tpu.vector_load %arg5[%get3A_22, %get3A_23] {strides = array<i32>} : memref<16x16xf32, #tpu.memory_space<vmem>>, vector<1x16xf32>,
    %get3A_25 = vector.shape_cast %get3A_24 : vector<1x16xf32> to vector<16xf32>
    %add3A_26 = arith.addf %add3A_20, %get3A_25 : vector<16xf32>
    %get3A_27 = arith.constant 5 : i32
    %get3A_28 = arith.index_cast %get3A_27 : i32 to index
    %get3A_29 = arith.constant 0 : index
    %get3A_30 = tpu.vector_load %arg5[%get3A_28, %get3A_29] {strides = array<i32>} : memref<16x16xf32, #tpu.memory_space<vmem>>, vector<1x16xf32>,
    %get3A_31 = vector.shape_cast %get3A_30 : vector<1x16xf32> to vector<16xf32>
    %add3A_32 = arith.addf %add3A_26, %get3A_31 : vector<16xf32>
    %get3A_33 = arith.constant 6 : i32
    %get3A_34 = arith.index_cast %get3A_33 : i32 to index
    %get3A_35 = arith.constant 0 : index
    %get3A_36 = tpu.vector_load %arg5[%get3A_34, %get3A_35] {strides = array<i32>} : memref<16x16xf32, #tpu.memory_space<vmem>>, vector<1x16xf32>,
    %get3A_37 = vector.shape_cast %get3A_36 : vector<1x16xf32> to vector<16xf32>
    %add3A_38 = arith.addf %add3A_32, %get3A_37 : vector<16xf32>
    %get3A_39 = arith.constant 7 : i32
    %get3A_40 = arith.index_cast %get3A_39 : i32 to index
    %get3A_41 = arith.constant 0 : index
    %get3A_42 = tpu.vector_load %arg5[%get3A_40, %get3A_41] {strides = array<i32>} : memref<16x16xf32, #tpu.memory_space<vmem>>, vector<1x16xf32>,
    %get3A_43 = vector.shape_cast %get3A_42 : vector<1x16xf32> to vector<16xf32>
    %add3A_44 = arith.addf %add3A_38, %get3A_43 : vector<16xf32>
    %get3A_45 = arith.constant 8 : i32
    %get3A_46 = arith.index_cast %get3A_45 : i32 to index
    %get3A_47 = arith.constant 0 : index
    %get3A_48 = tpu.vector_load %arg5[%get3A_46, %get3A_47] {strides = array<i32>} : memref<16x16xf32, #tpu.memory_space<vmem>>, vector<1x16xf32>,
    %get3A_49 = vector.shape_cast %get3A_48 : vector<1x16xf32> to vector<16xf32>
    %add3A_50 = arith.addf %add3A_44, %get3A_49 : vector<16xf32>
    %get3A_51 = arith.constant 9 : i32
    %get3A_52 = arith.index_cast %get3A_51 : i32 to index
    %get3A_53 = arith.constant 0 : index
    %get3A_54 = tpu.vector_load %arg5[%get3A_52, %get3A_53] {strides = array<i32>} : memref<16x16xf32, #tpu.memory_space<vmem>>, vector<1x16xf32>,
    %get3A_55 = vector.shape_cast %get3A_54 : vector<1x16xf32> to vector<16xf32>
    %add3A_56 = arith.addf %add3A_50, %get3A_55 : vector<16xf32>
    %get3A_57 = arith.constant 10 : i32
    %get3A_58 = arith.index_cast %get3A_57 : i32 to index
    %get3A_59 = arith.constant 0 : index
    %get3A_60 = tpu.vector_load %arg5[%get3A_58, %get3A_59] {strides = array<i32>} : memref<16x16xf32, #tpu.memory_space<vmem>>, vector<1x16xf32>,
    %get3A_61 = vector.shape_cast %get3A_60 : vector<1x16xf32> to vector<16xf32>
    %add3A_62 = arith.addf %add3A_56, %get3A_61 : vector<16xf32>
    %get3A_63 = arith.constant 11 : i32
    %get3A_64 = arith.index_cast %get3A_63 : i32 to index
    %get3A_65 = arith.constant 0 : index
    %get3A_66 = tpu.vector_load %arg5[%get3A_64, %get3A_65] {strides = array<i32>} : memref<16x16xf32, #tpu.memory_space<vmem>>, vector<1x16xf32>,
    %get3A_67 = vector.shape_cast %get3A_66 : vector<1x16xf32> to vector<16xf32>
    %add3A_68 = arith.addf %add3A_62, %get3A_67 : vector<16xf32>
    %get3A_69 = arith.constant 12 : i32
    %get3A_70 = arith.index_cast %get3A_69 : i32 to index
    %get3A_71 = arith.constant 0 : index
    %get3A_72 = tpu.vector_load %arg5[%get3A_70, %get3A_71] {strides = array<i32>} : memref<16x16xf32, #tpu.memory_space<vmem>>, vector<1x16xf32>,
    %get3A_73 = vector.shape_cast %get3A_72 : vector<1x16xf32> to vector<16xf32>
    %add3A_74 = arith.addf %add3A_68, %get3A_73 : vector<16xf32>
    %get3A_75 = arith.constant 13 : i32
    %get3A_76 = arith.index_cast %get3A_75 : i32 to index
    %get3A_77 = arith.constant 0 : index
    %get3A_78 = tpu.vector_load %arg5[%get3A_76, %get3A_77] {strides = array<i32>} : memref<16x16xf32, #tpu.memory_space<vmem>>, vector<1x16xf32>,
    %get3A_79 = vector.shape_cast %get3A_78 : vector<1x16xf32> to vector<16xf32>
    %add3A_80 = arith.addf %add3A_74, %get3A_79 : vector<16xf32>
    %get3A_81 = arith.constant 14 : i32
    %get3A_82 = arith.index_cast %get3A_81 : i32 to index
    %get3A_83 = arith.constant 0 : index
    %get3A_84 = tpu.vector_load %arg5[%get3A_82, %get3A_83] {strides = array<i32>} : memref<16x16xf32, #tpu.memory_space<vmem>>, vector<1x16xf32>,
    %get3A_85 = vector.shape_cast %get3A_84 : vector<1x16xf32> to vector<16xf32>
    %add3A_86 = arith.addf %add3A_80, %get3A_85 : vector<16xf32>
    %get3A_87 = arith.constant 15 : i32
    %get3A_88 = arith.index_cast %get3A_87 : i32 to index
    %get3A_89 = arith.constant 0 : index
    %get3A_90 = tpu.vector_load %arg5[%get3A_88, %get3A_89] {strides = array<i32>} : memref<16x16xf32, #tpu.memory_space<vmem>>, vector<1x16xf32>,
    %get3A_91 = vector.shape_cast %get3A_90 : vector<1x16xf32> to vector<16xf32>
    %add3A_92 = arith.addf %add3A_86, %get3A_91 : vector<16xf32>
    %mul3A = arith.constant 2 : i32
    %mul3A_93 = arith.muli %arg1, %mul3A : i32
    %add3A_94 = arith.addi %mul3A_93, %arg0 : i32
    %mul3A_95 = arith.constant 512 : i32
    %mul3A_96 = arith.muli %add3A_94, %mul3A_95 : i32
    "tpu.region"() ({
      %run_scoped3A = tpu.sem_alloc : memref<!tpu.dma_semaphore, #tpu.memory_space<semaphore_mem>>
      %dma_start3A = tpu.memref_slice %arg3[%mul3A_96] : memref<16384xi32, #tpu.memory_space<hbm>> -> memref<512xi32, #tpu.memory_space<hbm>>
      %dma_start3A_414 = tpu.memref_slice %arg3[%mul3A_96] : memref<16384xi32, #tpu.memory_space<hbm>> -> memref<512xi32, #tpu.memory_space<hbm>>
      tpu.enqueue_dma source(%dma_start3A_414 : memref<512xi32, #tpu.memory_space<hbm>>) target(%arg6 : memref<512xi32, #tpu.memory_space<vmem>>) target_semaphore(%run_scoped3A : memref<!tpu.dma_semaphore, #tpu.memory_space<semaphore_mem>>)
      %dma_wait3A = tpu.memref_slice %arg3[%mul3A_96] : memref<16384xi32, #tpu.memory_space<hbm>> -> memref<512xi32, #tpu.memory_space<hbm>>
      %dma_wait3A_415 = tpu.memref_slice %arg3[%mul3A_96] : memref<16384xi32, #tpu.memory_space<hbm>> -> memref<512xi32, #tpu.memory_space<hbm>>
      tpu.wait_dma2 semaphore(%run_scoped3A : memref<!tpu.dma_semaphore, #tpu.memory_space<semaphore_mem>>) src(%dma_wait3A_415 : memref<512xi32, #tpu.memory_space<hbm>>) dst(%arg6 : memref<512xi32, #tpu.memory_space<vmem>>)
      tpu.yield
    }) : () -> ()
    %get3A_97 = arith.constant 0 : index
    %get3A_98 = tpu.vector_load %arg6[%get3A_97] {strides = array<i32>} : memref<512xi32, #tpu.memory_space<vmem>>, vector<16xi32>,
    %get3A_99 = vector.shape_cast %get3A_98 : vector<16xi32> to vector<16xi32>
    %reshape3A = vector.shape_cast %get3A_99 : vector<16xi32> to vector<16x1xi32>
    %gather3A = vector.shape_cast %reshape3A : vector<16x1xi32> to vector<16xi32>
    %gather3A_100 = tpu.dynamic_gather %add3A_92[%gather3A] in [0] : vector<16xf32>, vector<16xi32> -> vector<16xf32>
    %swap3A = arith.constant 0 : index
    %swap3A_101 = tpu.vector_load %arg7[%swap3A] {strides = array<i32>} : memref<512xf32, #tpu.memory_space<vmem>>, vector<16xf32>,
    %swap3A_102 = vector.shape_cast %swap3A_101 : vector<16xf32> to vector<16xf32>
    %swap3A_103 = vector.shape_cast %gather3A_100 : vector<16xf32> to vector<16xf32>
    tpu.vector_store %arg7[%swap3A], %swap3A_103 {strides = array<i32>} : memref<512xf32, #tpu.memory_space<vmem>>, vector<16xf32>,
    %get3A_104 = arith.constant 16 : index
    %get3A_105 = tpu.vector_load %arg6[%get3A_104] {strides = array<i32>} : memref<512xi32, #tpu.memory_space<vmem>>, vector<16xi32>,
    %get3A_106 = vector.shape_cast %get3A_105 : vector<16xi32> to vector<16xi32>
    %reshape3A_107 = vector.shape_cast %get3A_106 : vector<16xi32> to vector<16x1xi32>
    %gather3A_108 = vector.shape_cast %reshape3A_107 : vector<16x1xi32> to vector<16xi32>
    %gather3A_109 = tpu.dynamic_gather %add3A_92[%gather3A_108] in [0] : vector<16xf32>, vector<16xi32> -> vector<16xf32>
    %swap3A_110 = arith.constant 16 : index
    %swap3A_111 = tpu.vector_load %arg7[%swap3A_110] {strides = array<i32>} : memref<512xf32, #tpu.memory_space<vmem>>, vector<16xf32>,
    %swap3A_112 = vector.shape_cast %swap3A_111 : vector<16xf32> to vector<16xf32>
    %swap3A_113 = vector.shape_cast %gather3A_109 : vector<16xf32> to vector<16xf32>
    tpu.vector_store %arg7[%swap3A_110], %swap3A_113 {strides = array<i32>} : memref<512xf32, #tpu.memory_space<vmem>>, vector<16xf32>,
    %get3A_114 = arith.constant 32 : index
    %get3A_115 = tpu.vector_load %arg6[%get3A_114] {strides = array<i32>} : memref<512xi32, #tpu.memory_space<vmem>>, vector<16xi32>,
    %get3A_116 = vector.shape_cast %get3A_115 : vector<16xi32> to vector<16xi32>
    %reshape3A_117 = vector.shape_cast %get3A_116 : vector<16xi32> to vector<16x1xi32>
    %gather3A_118 = vector.shape_cast %reshape3A_117 : vector<16x1xi32> to vector<16xi32>
    %gather3A_119 = tpu.dynamic_gather %add3A_92[%gather3A_118] in [0] : vector<16xf32>, vector<16xi32> -> vector<16xf32>
    %swap3A_120 = arith.constant 32 : index
    %swap3A_121 = tpu.vector_load %arg7[%swap3A_120] {strides = array<i32>} : memref<512xf32, #tpu.memory_space<vmem>>, vector<16xf32>,
    %swap3A_122 = vector.shape_cast %swap3A_121 : vector<16xf32> to vector<16xf32>
    %swap3A_123 = vector.shape_cast %gather3A_119 : vector<16xf32> to vector<16xf32>
    tpu.vector_store %arg7[%swap3A_120], %swap3A_123 {strides = array<i32>} : memref<512xf32, #tpu.memory_space<vmem>>, vector<16xf32>,
    %get3A_124 = arith.constant 48 : index
    %get3A_125 = tpu.vector_load %arg6[%get3A_124] {strides = array<i32>} : memref<512xi32, #tpu.memory_space<vmem>>, vector<16xi32>,
    %get3A_126 = vector.shape_cast %get3A_125 : vector<16xi32> to vector<16xi32>
    %reshape3A_127 = vector.shape_cast %get3A_126 : vector<16xi32> to vector<16x1xi32>
    %gather3A_128 = vector.shape_cast %reshape3A_127 : vector<16x1xi32> to vector<16xi32>
    %gather3A_129 = tpu.dynamic_gather %add3A_92[%gather3A_128] in [0] : vector<16xf32>, vector<16xi32> -> vector<16xf32>
    %swap3A_130 = arith.constant 48 : index
    %swap3A_131 = tpu.vector_load %arg7[%swap3A_130] {strides = array<i32>} : memref<512xf32, #tpu.memory_space<vmem>>, vector<16xf32>,
    %swap3A_132 = vector.shape_cast %swap3A_131 : vector<16xf32> to vector<16xf32>
    %swap3A_133 = vector.shape_cast %gather3A_129 : vector<16xf32> to vector<16xf32>
    tpu.vector_store %arg7[%swap3A_130], %swap3A_133 {strides = array<i32>} : memref<512xf32, #tpu.memory_space<vmem>>, vector<16xf32>,
    %get3A_134 = arith.constant 64 : index
    %get3A_135 = tpu.vector_load %arg6[%get3A_134] {strides = array<i32>} : memref<512xi32, #tpu.memory_space<vmem>>, vector<16xi32>,
    %get3A_136 = vector.shape_cast %get3A_135 : vector<16xi32> to vector<16xi32>
    %reshape3A_137 = vector.shape_cast %get3A_136 : vector<16xi32> to vector<16x1xi32>
    %gather3A_138 = vector.shape_cast %reshape3A_137 : vector<16x1xi32> to vector<16xi32>
    %gather3A_139 = tpu.dynamic_gather %add3A_92[%gather3A_138] in [0] : vector<16xf32>, vector<16xi32> -> vector<16xf32>
    %swap3A_140 = arith.constant 64 : index
    %swap3A_141 = tpu.vector_load %arg7[%swap3A_140] {strides = array<i32>} : memref<512xf32, #tpu.memory_space<vmem>>, vector<16xf32>,
    %swap3A_142 = vector.shape_cast %swap3A_141 : vector<16xf32> to vector<16xf32>
    %swap3A_143 = vector.shape_cast %gather3A_139 : vector<16xf32> to vector<16xf32>
    tpu.vector_store %arg7[%swap3A_140], %swap3A_143 {strides = array<i32>} : memref<512xf32, #tpu.memory_space<vmem>>, vector<16xf32>,
    %get3A_144 = arith.constant 80 : index
    %get3A_145 = tpu.vector_load %arg6[%get3A_144] {strides = array<i32>} : memref<512xi32, #tpu.memory_space<vmem>>, vector<16xi32>,
    %get3A_146 = vector.shape_cast %get3A_145 : vector<16xi32> to vector<16xi32>
    %reshape3A_147 = vector.shape_cast %get3A_146 : vector<16xi32> to vector<16x1xi32>
    %gather3A_148 = vector.shape_cast %reshape3A_147 : vector<16x1xi32> to vector<16xi32>
    %gather3A_149 = tpu.dynamic_gather %add3A_92[%gather3A_148] in [0] : vector<16xf32>, vector<16xi32> -> vector<16xf32>
    %swap3A_150 = arith.constant 80 : index
    %swap3A_151 = tpu.vector_load %arg7[%swap3A_150] {strides = array<i32>} : memref<512xf32, #tpu.memory_space<vmem>>, vector<16xf32>,
    %swap3A_152 = vector.shape_cast %swap3A_151 : vector<16xf32> to vector<16xf32>
    %swap3A_153 = vector.shape_cast %gather3A_149 : vector<16xf32> to vector<16xf32>
    tpu.vector_store %arg7[%swap3A_150], %swap3A_153 {strides = array<i32>} : memref<512xf32, #tpu.memory_space<vmem>>, vector<16xf32>,
    %get3A_154 = arith.constant 96 : index
    %get3A_155 = tpu.vector_load %arg6[%get3A_154] {strides = array<i32>} : memref<512xi32, #tpu.memory_space<vmem>>, vector<16xi32>,
    %get3A_156 = vector.shape_cast %get3A_155 : vector<16xi32> to vector<16xi32>
    %reshape3A_157 = vector.shape_cast %get3A_156 : vector<16xi32> to vector<16x1xi32>
    %gather3A_158 = vector.shape_cast %reshape3A_157 : vector<16x1xi32> to vector<16xi32>
    %gather3A_159 = tpu.dynamic_gather %add3A_92[%gather3A_158] in [0] : vector<16xf32>, vector<16xi32> -> vector<16xf32>
    %swap3A_160 = arith.constant 96 : index
    %swap3A_161 = tpu.vector_load %arg7[%swap3A_160] {strides = array<i32>} : memref<512xf32, #tpu.memory_space<vmem>>, vector<16xf32>,
    %swap3A_162 = vector.shape_cast %swap3A_161 : vector<16xf32> to vector<16xf32>
    %swap3A_163 = vector.shape_cast %gather3A_159 : vector<16xf32> to vector<16xf32>
    tpu.vector_store %arg7[%swap3A_160], %swap3A_163 {strides = array<i32>} : memref<512xf32, #tpu.memory_space<vmem>>, vector<16xf32>,
    %get3A_164 = arith.constant 112 : index
    %get3A_165 = tpu.vector_load %arg6[%get3A_164] {strides = array<i32>} : memref<512xi32, #tpu.memory_space<vmem>>, vector<16xi32>,
    %get3A_166 = vector.shape_cast %get3A_165 : vector<16xi32> to vector<16xi32>
    %reshape3A_167 = vector.shape_cast %get3A_166 : vector<16xi32> to vector<16x1xi32>
    %gather3A_168 = vector.shape_cast %reshape3A_167 : vector<16x1xi32> to vector<16xi32>
    %gather3A_169 = tpu.dynamic_gather %add3A_92[%gather3A_168] in [0] : vector<16xf32>, vector<16xi32> -> vector<16xf32>
    %swap3A_170 = arith.constant 112 : index
    %swap3A_171 = tpu.vector_load %arg7[%swap3A_170] {strides = array<i32>} : memref<512xf32, #tpu.memory_space<vmem>>, vector<16xf32>,
    %swap3A_172 = vector.shape_cast %swap3A_171 : vector<16xf32> to vector<16xf32>
    %swap3A_173 = vector.shape_cast %gather3A_169 : vector<16xf32> to vector<16xf32>
    tpu.vector_store %arg7[%swap3A_170], %swap3A_173 {strides = array<i32>} : memref<512xf32, #tpu.memory_space<vmem>>, vector<16xf32>,
    %get3A_174 = arith.constant 128 : index
    %get3A_175 = tpu.vector_load %arg6[%get3A_174] {strides = array<i32>} : memref<512xi32, #tpu.memory_space<vmem>>, vector<16xi32>,
    %get3A_176 = vector.shape_cast %get3A_175 : vector<16xi32> to vector<16xi32>
    %reshape3A_177 = vector.shape_cast %get3A_176 : vector<16xi32> to vector<16x1xi32>
    %gather3A_178 = vector.shape_cast %reshape3A_177 : vector<16x1xi32> to vector<16xi32>
    %gather3A_179 = tpu.dynamic_gather %add3A_92[%gather3A_178] in [0] : vector<16xf32>, vector<16xi32> -> vector<16xf32>
    %swap3A_180 = arith.constant 128 : index
    %swap3A_181 = tpu.vector_load %arg7[%swap3A_180] {strides = array<i32>} : memref<512xf32, #tpu.memory_space<vmem>>, vector<16xf32>,
    %swap3A_182 = vector.shape_cast %swap3A_181 : vector<16xf32> to vector<16xf32>
    %swap3A_183 = vector.shape_cast %gather3A_179 : vector<16xf32> to vector<16xf32>
    tpu.vector_store %arg7[%swap3A_180], %swap3A_183 {strides = array<i32>} : memref<512xf32, #tpu.memory_space<vmem>>, vector<16xf32>,
    %get3A_184 = arith.constant 144 : index
    %get3A_185 = tpu.vector_load %arg6[%get3A_184] {strides = array<i32>} : memref<512xi32, #tpu.memory_space<vmem>>, vector<16xi32>,
    %get3A_186 = vector.shape_cast %get3A_185 : vector<16xi32> to vector<16xi32>
    %reshape3A_187 = vector.shape_cast %get3A_186 : vector<16xi32> to vector<16x1xi32>
    %gather3A_188 = vector.shape_cast %reshape3A_187 : vector<16x1xi32> to vector<16xi32>
    %gather3A_189 = tpu.dynamic_gather %add3A_92[%gather3A_188] in [0] : vector<16xf32>, vector<16xi32> -> vector<16xf32>
    %swap3A_190 = arith.constant 144 : index
    %swap3A_191 = tpu.vector_load %arg7[%swap3A_190] {strides = array<i32>} : memref<512xf32, #tpu.memory_space<vmem>>, vector<16xf32>,
    %swap3A_192 = vector.shape_cast %swap3A_191 : vector<16xf32> to vector<16xf32>
    %swap3A_193 = vector.shape_cast %gather3A_189 : vector<16xf32> to vector<16xf32>
    tpu.vector_store %arg7[%swap3A_190], %swap3A_193 {strides = array<i32>} : memref<512xf32, #tpu.memory_space<vmem>>, vector<16xf32>,
    %get3A_194 = arith.constant 160 : index
    %get3A_195 = tpu.vector_load %arg6[%get3A_194] {strides = array<i32>} : memref<512xi32, #tpu.memory_space<vmem>>, vector<16xi32>,
    %get3A_196 = vector.shape_cast %get3A_195 : vector<16xi32> to vector<16xi32>
    %reshape3A_197 = vector.shape_cast %get3A_196 : vector<16xi32> to vector<16x1xi32>
    %gather3A_198 = vector.shape_cast %reshape3A_197 : vector<16x1xi32> to vector<16xi32>
    %gather3A_199 = tpu.dynamic_gather %add3A_92[%gather3A_198] in [0] : vector<16xf32>, vector<16xi32> -> vector<16xf32>
    %swap3A_200 = arith.constant 160 : index
    %swap3A_201 = tpu.vector_load %arg7[%swap3A_200] {strides = array<i32>} : memref<512xf32, #tpu.memory_space<vmem>>, vector<16xf32>,
    %swap3A_202 = vector.shape_cast %swap3A_201 : vector<16xf32> to vector<16xf32>
    %swap3A_203 = vector.shape_cast %gather3A_199 : vector<16xf32> to vector<16xf32>
    tpu.vector_store %arg7[%swap3A_200], %swap3A_203 {strides = array<i32>} : memref<512xf32, #tpu.memory_space<vmem>>, vector<16xf32>,
    %get3A_204 = arith.constant 176 : index
    %get3A_205 = tpu.vector_load %arg6[%get3A_204] {strides = array<i32>} : memref<512xi32, #tpu.memory_space<vmem>>, vector<16xi32>,
    %get3A_206 = vector.shape_cast %get3A_205 : vector<16xi32> to vector<16xi32>
    %reshape3A_207 = vector.shape_cast %get3A_206 : vector<16xi32> to vector<16x1xi32>
    %gather3A_208 = vector.shape_cast %reshape3A_207 : vector<16x1xi32> to vector<16xi32>
    %gather3A_209 = tpu.dynamic_gather %add3A_92[%gather3A_208] in [0] : vector<16xf32>, vector<16xi32> -> vector<16xf32>
    %swap3A_210 = arith.constant 176 : index
    %swap3A_211 = tpu.vector_load %arg7[%swap3A_210] {strides = array<i32>} : memref<512xf32, #tpu.memory_space<vmem>>, vector<16xf32>,
    %swap3A_212 = vector.shape_cast %swap3A_211 : vector<16xf32> to vector<16xf32>
    %swap3A_213 = vector.shape_cast %gather3A_209 : vector<16xf32> to vector<16xf32>
    tpu.vector_store %arg7[%swap3A_210], %swap3A_213 {strides = array<i32>} : memref<512xf32, #tpu.memory_space<vmem>>, vector<16xf32>,
    %get3A_214 = arith.constant 192 : index
    %get3A_215 = tpu.vector_load %arg6[%get3A_214] {strides = array<i32>} : memref<512xi32, #tpu.memory_space<vmem>>, vector<16xi32>,
    %get3A_216 = vector.shape_cast %get3A_215 : vector<16xi32> to vector<16xi32>
    %reshape3A_217 = vector.shape_cast %get3A_216 : vector<16xi32> to vector<16x1xi32>
    %gather3A_218 = vector.shape_cast %reshape3A_217 : vector<16x1xi32> to vector<16xi32>
    %gather3A_219 = tpu.dynamic_gather %add3A_92[%gather3A_218] in [0] : vector<16xf32>, vector<16xi32> -> vector<16xf32>
    %swap3A_220 = arith.constant 192 : index
    %swap3A_221 = tpu.vector_load %arg7[%swap3A_220] {strides = array<i32>} : memref<512xf32, #tpu.memory_space<vmem>>, vector<16xf32>,
    %swap3A_222 = vector.shape_cast %swap3A_221 : vector<16xf32> to vector<16xf32>
    %swap3A_223 = vector.shape_cast %gather3A_219 : vector<16xf32> to vector<16xf32>
    tpu.vector_store %arg7[%swap3A_220], %swap3A_223 {strides = array<i32>} : memref<512xf32, #tpu.memory_space<vmem>>, vector<16xf32>,
    %get3A_224 = arith.constant 208 : index
    %get3A_225 = tpu.vector_load %arg6[%get3A_224] {strides = array<i32>} : memref<512xi32, #tpu.memory_space<vmem>>, vector<16xi32>,
    %get3A_226 = vector.shape_cast %get3A_225 : vector<16xi32> to vector<16xi32>
    %reshape3A_227 = vector.shape_cast %get3A_226 : vector<16xi32> to vector<16x1xi32>
    %gather3A_228 = vector.shape_cast %reshape3A_227 : vector<16x1xi32> to vector<16xi32>
    %gather3A_229 = tpu.dynamic_gather %add3A_92[%gather3A_228] in [0] : vector<16xf32>, vector<16xi32> -> vector<16xf32>
    %swap3A_230 = arith.constant 208 : index
    %swap3A_231 = tpu.vector_load %arg7[%swap3A_230] {strides = array<i32>} : memref<512xf32, #tpu.memory_space<vmem>>, vector<16xf32>,
    %swap3A_232 = vector.shape_cast %swap3A_231 : vector<16xf32> to vector<16xf32>
    %swap3A_233 = vector.shape_cast %gather3A_229 : vector<16xf32> to vector<16xf32>
    tpu.vector_store %arg7[%swap3A_230], %swap3A_233 {strides = array<i32>} : memref<512xf32, #tpu.memory_space<vmem>>, vector<16xf32>,
    %get3A_234 = arith.constant 224 : index
    %get3A_235 = tpu.vector_load %arg6[%get3A_234] {strides = array<i32>} : memref<512xi32, #tpu.memory_space<vmem>>, vector<16xi32>,
    %get3A_236 = vector.shape_cast %get3A_235 : vector<16xi32> to vector<16xi32>
    %reshape3A_237 = vector.shape_cast %get3A_236 : vector<16xi32> to vector<16x1xi32>
    %gather3A_238 = vector.shape_cast %reshape3A_237 : vector<16x1xi32> to vector<16xi32>
    %gather3A_239 = tpu.dynamic_gather %add3A_92[%gather3A_238] in [0] : vector<16xf32>, vector<16xi32> -> vector<16xf32>
    %swap3A_240 = arith.constant 224 : index
    %swap3A_241 = tpu.vector_load %arg7[%swap3A_240] {strides = array<i32>} : memref<512xf32, #tpu.memory_space<vmem>>, vector<16xf32>,
    %swap3A_242 = vector.shape_cast %swap3A_241 : vector<16xf32> to vector<16xf32>
    %swap3A_243 = vector.shape_cast %gather3A_239 : vector<16xf32> to vector<16xf32>
    tpu.vector_store %arg7[%swap3A_240], %swap3A_243 {strides = array<i32>} : memref<512xf32, #tpu.memory_space<vmem>>, vector<16xf32>,
    %get3A_244 = arith.constant 240 : index
    %get3A_245 = tpu.vector_load %arg6[%get3A_244] {strides = array<i32>} : memref<512xi32, #tpu.memory_space<vmem>>, vector<16xi32>,
    %get3A_246 = vector.shape_cast %get3A_245 : vector<16xi32> to vector<16xi32>
    %reshape3A_247 = vector.shape_cast %get3A_246 : vector<16xi32> to vector<16x1xi32>
    %gather3A_248 = vector.shape_cast %reshape3A_247 : vector<16x1xi32> to vector<16xi32>
    %gather3A_249 = tpu.dynamic_gather %add3A_92[%gather3A_248] in [0] : vector<16xf32>, vector<16xi32> -> vector<16xf32>
    %swap3A_250 = arith.constant 240 : index
    %swap3A_251 = tpu.vector_load %arg7[%swap3A_250] {strides = array<i32>} : memref<512xf32, #tpu.memory_space<vmem>>, vector<16xf32>,
    %swap3A_252 = vector.shape_cast %swap3A_251 : vector<16xf32> to vector<16xf32>
    %swap3A_253 = vector.shape_cast %gather3A_249 : vector<16xf32> to vector<16xf32>
    tpu.vector_store %arg7[%swap3A_250], %swap3A_253 {strides = array<i32>} : memref<512xf32, #tpu.memory_space<vmem>>, vector<16xf32>,
    %get3A_254 = arith.constant 256 : index
    %get3A_255 = tpu.vector_load %arg6[%get3A_254] {strides = array<i32>} : memref<512xi32, #tpu.memory_space<vmem>>, vector<16xi32>,
    %get3A_256 = vector.shape_cast %get3A_255 : vector<16xi32> to vector<16xi32>
    %reshape3A_257 = vector.shape_cast %get3A_256 : vector<16xi32> to vector<16x1xi32>
    %gather3A_258 = vector.shape_cast %reshape3A_257 : vector<16x1xi32> to vector<16xi32>
    %gather3A_259 = tpu.dynamic_gather %add3A_92[%gather3A_258] in [0] : vector<16xf32>, vector<16xi32> -> vector<16xf32>
    %swap3A_260 = arith.constant 256 : index
    %swap3A_261 = tpu.vector_load %arg7[%swap3A_260] {strides = array<i32>} : memref<512xf32, #tpu.memory_space<vmem>>, vector<16xf32>,
    %swap3A_262 = vector.shape_cast %swap3A_261 : vector<16xf32> to vector<16xf32>
    %swap3A_263 = vector.shape_cast %gather3A_259 : vector<16xf32> to vector<16xf32>
    tpu.vector_store %arg7[%swap3A_260], %swap3A_263 {strides = array<i32>} : memref<512xf32, #tpu.memory_space<vmem>>, vector<16xf32>,
    %get3A_264 = arith.constant 272 : index
    %get3A_265 = tpu.vector_load %arg6[%get3A_264] {strides = array<i32>} : memref<512xi32, #tpu.memory_space<vmem>>, vector<16xi32>,
    %get3A_266 = vector.shape_cast %get3A_265 : vector<16xi32> to vector<16xi32>
    %reshape3A_267 = vector.shape_cast %get3A_266 : vector<16xi32> to vector<16x1xi32>
    %gather3A_268 = vector.shape_cast %reshape3A_267 : vector<16x1xi32> to vector<16xi32>
    %gather3A_269 = tpu.dynamic_gather %add3A_92[%gather3A_268] in [0] : vector<16xf32>, vector<16xi32> -> vector<16xf32>
    %swap3A_270 = arith.constant 272 : index
    %swap3A_271 = tpu.vector_load %arg7[%swap3A_270] {strides = array<i32>} : memref<512xf32, #tpu.memory_space<vmem>>, vector<16xf32>,
    %swap3A_272 = vector.shape_cast %swap3A_271 : vector<16xf32> to vector<16xf32>
    %swap3A_273 = vector.shape_cast %gather3A_269 : vector<16xf32> to vector<16xf32>
    tpu.vector_store %arg7[%swap3A_270], %swap3A_273 {strides = array<i32>} : memref<512xf32, #tpu.memory_space<vmem>>, vector<16xf32>,
    %get3A_274 = arith.constant 288 : index
    %get3A_275 = tpu.vector_load %arg6[%get3A_274] {strides = array<i32>} : memref<512xi32, #tpu.memory_space<vmem>>, vector<16xi32>,
    %get3A_276 = vector.shape_cast %get3A_275 : vector<16xi32> to vector<16xi32>
    %reshape3A_277 = vector.shape_cast %get3A_276 : vector<16xi32> to vector<16x1xi32>
    %gather3A_278 = vector.shape_cast %reshape3A_277 : vector<16x1xi32> to vector<16xi32>
    %gather3A_279 = tpu.dynamic_gather %add3A_92[%gather3A_278] in [0] : vector<16xf32>, vector<16xi32> -> vector<16xf32>
    %swap3A_280 = arith.constant 288 : index
    %swap3A_281 = tpu.vector_load %arg7[%swap3A_280] {strides = array<i32>} : memref<512xf32, #tpu.memory_space<vmem>>, vector<16xf32>,
    %swap3A_282 = vector.shape_cast %swap3A_281 : vector<16xf32> to vector<16xf32>
    %swap3A_283 = vector.shape_cast %gather3A_279 : vector<16xf32> to vector<16xf32>
    tpu.vector_store %arg7[%swap3A_280], %swap3A_283 {strides = array<i32>} : memref<512xf32, #tpu.memory_space<vmem>>, vector<16xf32>,
    %get3A_284 = arith.constant 304 : index
    %get3A_285 = tpu.vector_load %arg6[%get3A_284] {strides = array<i32>} : memref<512xi32, #tpu.memory_space<vmem>>, vector<16xi32>,
    %get3A_286 = vector.shape_cast %get3A_285 : vector<16xi32> to vector<16xi32>
    %reshape3A_287 = vector.shape_cast %get3A_286 : vector<16xi32> to vector<16x1xi32>
    %gather3A_288 = vector.shape_cast %reshape3A_287 : vector<16x1xi32> to vector<16xi32>
    %gather3A_289 = tpu.dynamic_gather %add3A_92[%gather3A_288] in [0] : vector<16xf32>, vector<16xi32> -> vector<16xf32>
    %swap3A_290 = arith.constant 304 : index
    %swap3A_291 = tpu.vector_load %arg7[%swap3A_290] {strides = array<i32>} : memref<512xf32, #tpu.memory_space<vmem>>, vector<16xf32>,
    %swap3A_292 = vector.shape_cast %swap3A_291 : vector<16xf32> to vector<16xf32>
    %swap3A_293 = vector.shape_cast %gather3A_289 : vector<16xf32> to vector<16xf32>
    tpu.vector_store %arg7[%swap3A_290], %swap3A_293 {strides = array<i32>} : memref<512xf32, #tpu.memory_space<vmem>>, vector<16xf32>,
    %get3A_294 = arith.constant 320 : index
    %get3A_295 = tpu.vector_load %arg6[%get3A_294] {strides = array<i32>} : memref<512xi32, #tpu.memory_space<vmem>>, vector<16xi32>,
    %get3A_296 = vector.shape_cast %get3A_295 : vector<16xi32> to vector<16xi32>
    %reshape3A_297 = vector.shape_cast %get3A_296 : vector<16xi32> to vector<16x1xi32>
    %gather3A_298 = vector.shape_cast %reshape3A_297 : vector<16x1xi32> to vector<16xi32>
    %gather3A_299 = tpu.dynamic_gather %add3A_92[%gather3A_298] in [0] : vector<16xf32>, vector<16xi32> -> vector<16xf32>
    %swap3A_300 = arith.constant 320 : index
    %swap3A_301 = tpu.vector_load %arg7[%swap3A_300] {strides = array<i32>} : memref<512xf32, #tpu.memory_space<vmem>>, vector<16xf32>,
    %swap3A_302 = vector.shape_cast %swap3A_301 : vector<16xf32> to vector<16xf32>
    %swap3A_303 = vector.shape_cast %gather3A_299 : vector<16xf32> to vector<16xf32>
    tpu.vector_store %arg7[%swap3A_300], %swap3A_303 {strides = array<i32>} : memref<512xf32, #tpu.memory_space<vmem>>, vector<16xf32>,
    %get3A_304 = arith.constant 336 : index
    %get3A_305 = tpu.vector_load %arg6[%get3A_304] {strides = array<i32>} : memref<512xi32, #tpu.memory_space<vmem>>, vector<16xi32>,
    %get3A_306 = vector.shape_cast %get3A_305 : vector<16xi32> to vector<16xi32>
    %reshape3A_307 = vector.shape_cast %get3A_306 : vector<16xi32> to vector<16x1xi32>
    %gather3A_308 = vector.shape_cast %reshape3A_307 : vector<16x1xi32> to vector<16xi32>
    %gather3A_309 = tpu.dynamic_gather %add3A_92[%gather3A_308] in [0] : vector<16xf32>, vector<16xi32> -> vector<16xf32>
    %swap3A_310 = arith.constant 336 : index
    %swap3A_311 = tpu.vector_load %arg7[%swap3A_310] {strides = array<i32>} : memref<512xf32, #tpu.memory_space<vmem>>, vector<16xf32>,
    %swap3A_312 = vector.shape_cast %swap3A_311 : vector<16xf32> to vector<16xf32>
    %swap3A_313 = vector.shape_cast %gather3A_309 : vector<16xf32> to vector<16xf32>
    tpu.vector_store %arg7[%swap3A_310], %swap3A_313 {strides = array<i32>} : memref<512xf32, #tpu.memory_space<vmem>>, vector<16xf32>,
    %get3A_314 = arith.constant 352 : index
    %get3A_315 = tpu.vector_load %arg6[%get3A_314] {strides = array<i32>} : memref<512xi32, #tpu.memory_space<vmem>>, vector<16xi32>,
    %get3A_316 = vector.shape_cast %get3A_315 : vector<16xi32> to vector<16xi32>
    %reshape3A_317 = vector.shape_cast %get3A_316 : vector<16xi32> to vector<16x1xi32>
    %gather3A_318 = vector.shape_cast %reshape3A_317 : vector<16x1xi32> to vector<16xi32>
    %gather3A_319 = tpu.dynamic_gather %add3A_92[%gather3A_318] in [0] : vector<16xf32>, vector<16xi32> -> vector<16xf32>
    %swap3A_320 = arith.constant 352 : index
    %swap3A_321 = tpu.vector_load %arg7[%swap3A_320] {strides = array<i32>} : memref<512xf32, #tpu.memory_space<vmem>>, vector<16xf32>,
    %swap3A_322 = vector.shape_cast %swap3A_321 : vector<16xf32> to vector<16xf32>
    %swap3A_323 = vector.shape_cast %gather3A_319 : vector<16xf32> to vector<16xf32>
    tpu.vector_store %arg7[%swap3A_320], %swap3A_323 {strides = array<i32>} : memref<512xf32, #tpu.memory_space<vmem>>, vector<16xf32>,
    %get3A_324 = arith.constant 368 : index
    %get3A_325 = tpu.vector_load %arg6[%get3A_324] {strides = array<i32>} : memref<512xi32, #tpu.memory_space<vmem>>, vector<16xi32>,
    %get3A_326 = vector.shape_cast %get3A_325 : vector<16xi32> to vector<16xi32>
    %reshape3A_327 = vector.shape_cast %get3A_326 : vector<16xi32> to vector<16x1xi32>
    %gather3A_328 = vector.shape_cast %reshape3A_327 : vector<16x1xi32> to vector<16xi32>
    %gather3A_329 = tpu.dynamic_gather %add3A_92[%gather3A_328] in [0] : vector<16xf32>, vector<16xi32> -> vector<16xf32>
    %swap3A_330 = arith.constant 368 : index
    %swap3A_331 = tpu.vector_load %arg7[%swap3A_330] {strides = array<i32>} : memref<512xf32, #tpu.memory_space<vmem>>, vector<16xf32>,
    %swap3A_332 = vector.shape_cast %swap3A_331 : vector<16xf32> to vector<16xf32>
    %swap3A_333 = vector.shape_cast %gather3A_329 : vector<16xf32> to vector<16xf32>
    tpu.vector_store %arg7[%swap3A_330], %swap3A_333 {strides = array<i32>} : memref<512xf32, #tpu.memory_space<vmem>>, vector<16xf32>,
    %get3A_334 = arith.constant 384 : index
    %get3A_335 = tpu.vector_load %arg6[%get3A_334] {strides = array<i32>} : memref<512xi32, #tpu.memory_space<vmem>>, vector<16xi32>,
    %get3A_336 = vector.shape_cast %get3A_335 : vector<16xi32> to vector<16xi32>
    %reshape3A_337 = vector.shape_cast %get3A_336 : vector<16xi32> to vector<16x1xi32>
    %gather3A_338 = vector.shape_cast %reshape3A_337 : vector<16x1xi32> to vector<16xi32>
    %gather3A_339 = tpu.dynamic_gather %add3A_92[%gather3A_338] in [0] : vector<16xf32>, vector<16xi32> -> vector<16xf32>
    %swap3A_340 = arith.constant 384 : index
    %swap3A_341 = tpu.vector_load %arg7[%swap3A_340] {strides = array<i32>} : memref<512xf32, #tpu.memory_space<vmem>>, vector<16xf32>,
    %swap3A_342 = vector.shape_cast %swap3A_341 : vector<16xf32> to vector<16xf32>
    %swap3A_343 = vector.shape_cast %gather3A_339 : vector<16xf32> to vector<16xf32>
    tpu.vector_store %arg7[%swap3A_340], %swap3A_343 {strides = array<i32>} : memref<512xf32, #tpu.memory_space<vmem>>, vector<16xf32>,
    %get3A_344 = arith.constant 400 : index
    %get3A_345 = tpu.vector_load %arg6[%get3A_344] {strides = array<i32>} : memref<512xi32, #tpu.memory_space<vmem>>, vector<16xi32>,
    %get3A_346 = vector.shape_cast %get3A_345 : vector<16xi32> to vector<16xi32>
    %reshape3A_347 = vector.shape_cast %get3A_346 : vector<16xi32> to vector<16x1xi32>
    %gather3A_348 = vector.shape_cast %reshape3A_347 : vector<16x1xi32> to vector<16xi32>
    %gather3A_349 = tpu.dynamic_gather %add3A_92[%gather3A_348] in [0] : vector<16xf32>, vector<16xi32> -> vector<16xf32>
    %swap3A_350 = arith.constant 400 : index
    %swap3A_351 = tpu.vector_load %arg7[%swap3A_350] {strides = array<i32>} : memref<512xf32, #tpu.memory_space<vmem>>, vector<16xf32>,
    %swap3A_352 = vector.shape_cast %swap3A_351 : vector<16xf32> to vector<16xf32>
    %swap3A_353 = vector.shape_cast %gather3A_349 : vector<16xf32> to vector<16xf32>
    tpu.vector_store %arg7[%swap3A_350], %swap3A_353 {strides = array<i32>} : memref<512xf32, #tpu.memory_space<vmem>>, vector<16xf32>,
    %get3A_354 = arith.constant 416 : index
    %get3A_355 = tpu.vector_load %arg6[%get3A_354] {strides = array<i32>} : memref<512xi32, #tpu.memory_space<vmem>>, vector<16xi32>,
    %get3A_356 = vector.shape_cast %get3A_355 : vector<16xi32> to vector<16xi32>
    %reshape3A_357 = vector.shape_cast %get3A_356 : vector<16xi32> to vector<16x1xi32>
    %gather3A_358 = vector.shape_cast %reshape3A_357 : vector<16x1xi32> to vector<16xi32>
    %gather3A_359 = tpu.dynamic_gather %add3A_92[%gather3A_358] in [0] : vector<16xf32>, vector<16xi32> -> vector<16xf32>
    %swap3A_360 = arith.constant 416 : index
    %swap3A_361 = tpu.vector_load %arg7[%swap3A_360] {strides = array<i32>} : memref<512xf32, #tpu.memory_space<vmem>>, vector<16xf32>,
    %swap3A_362 = vector.shape_cast %swap3A_361 : vector<16xf32> to vector<16xf32>
    %swap3A_363 = vector.shape_cast %gather3A_359 : vector<16xf32> to vector<16xf32>
    tpu.vector_store %arg7[%swap3A_360], %swap3A_363 {strides = array<i32>} : memref<512xf32, #tpu.memory_space<vmem>>, vector<16xf32>,
    %get3A_364 = arith.constant 432 : index
    %get3A_365 = tpu.vector_load %arg6[%get3A_364] {strides = array<i32>} : memref<512xi32, #tpu.memory_space<vmem>>, vector<16xi32>,
    %get3A_366 = vector.shape_cast %get3A_365 : vector<16xi32> to vector<16xi32>
    %reshape3A_367 = vector.shape_cast %get3A_366 : vector<16xi32> to vector<16x1xi32>
    %gather3A_368 = vector.shape_cast %reshape3A_367 : vector<16x1xi32> to vector<16xi32>
    %gather3A_369 = tpu.dynamic_gather %add3A_92[%gather3A_368] in [0] : vector<16xf32>, vector<16xi32> -> vector<16xf32>
    %swap3A_370 = arith.constant 432 : index
    %swap3A_371 = tpu.vector_load %arg7[%swap3A_370] {strides = array<i32>} : memref<512xf32, #tpu.memory_space<vmem>>, vector<16xf32>,
    %swap3A_372 = vector.shape_cast %swap3A_371 : vector<16xf32> to vector<16xf32>
    %swap3A_373 = vector.shape_cast %gather3A_369 : vector<16xf32> to vector<16xf32>
    tpu.vector_store %arg7[%swap3A_370], %swap3A_373 {strides = array<i32>} : memref<512xf32, #tpu.memory_space<vmem>>, vector<16xf32>,
    %get3A_374 = arith.constant 448 : index
    %get3A_375 = tpu.vector_load %arg6[%get3A_374] {strides = array<i32>} : memref<512xi32, #tpu.memory_space<vmem>>, vector<16xi32>,
    %get3A_376 = vector.shape_cast %get3A_375 : vector<16xi32> to vector<16xi32>
    %reshape3A_377 = vector.shape_cast %get3A_376 : vector<16xi32> to vector<16x1xi32>
    %gather3A_378 = vector.shape_cast %reshape3A_377 : vector<16x1xi32> to vector<16xi32>
    %gather3A_379 = tpu.dynamic_gather %add3A_92[%gather3A_378] in [0] : vector<16xf32>, vector<16xi32> -> vector<16xf32>
    %swap3A_380 = arith.constant 448 : index
    %swap3A_381 = tpu.vector_load %arg7[%swap3A_380] {strides = array<i32>} : memref<512xf32, #tpu.memory_space<vmem>>, vector<16xf32>,
    %swap3A_382 = vector.shape_cast %swap3A_381 : vector<16xf32> to vector<16xf32>
    %swap3A_383 = vector.shape_cast %gather3A_379 : vector<16xf32> to vector<16xf32>
    tpu.vector_store %arg7[%swap3A_380], %swap3A_383 {strides = array<i32>} : memref<512xf32, #tpu.memory_space<vmem>>, vector<16xf32>,
    %get3A_384 = arith.constant 464 : index
    %get3A_385 = tpu.vector_load %arg6[%get3A_384] {strides = array<i32>} : memref<512xi32, #tpu.memory_space<vmem>>, vector<16xi32>,
    %get3A_386 = vector.shape_cast %get3A_385 : vector<16xi32> to vector<16xi32>
    %reshape3A_387 = vector.shape_cast %get3A_386 : vector<16xi32> to vector<16x1xi32>
    %gather3A_388 = vector.shape_cast %reshape3A_387 : vector<16x1xi32> to vector<16xi32>
    %gather3A_389 = tpu.dynamic_gather %add3A_92[%gather3A_388] in [0] : vector<16xf32>, vector<16xi32> -> vector<16xf32>
    %swap3A_390 = arith.constant 464 : index
    %swap3A_391 = tpu.vector_load %arg7[%swap3A_390] {strides = array<i32>} : memref<512xf32, #tpu.memory_space<vmem>>, vector<16xf32>,
    %swap3A_392 = vector.shape_cast %swap3A_391 : vector<16xf32> to vector<16xf32>
    %swap3A_393 = vector.shape_cast %gather3A_389 : vector<16xf32> to vector<16xf32>
    tpu.vector_store %arg7[%swap3A_390], %swap3A_393 {strides = array<i32>} : memref<512xf32, #tpu.memory_space<vmem>>, vector<16xf32>,
    %get3A_394 = arith.constant 480 : index
    %get3A_395 = tpu.vector_load %arg6[%get3A_394] {strides = array<i32>} : memref<512xi32, #tpu.memory_space<vmem>>, vector<16xi32>,
    %get3A_396 = vector.shape_cast %get3A_395 : vector<16xi32> to vector<16xi32>
    %reshape3A_397 = vector.shape_cast %get3A_396 : vector<16xi32> to vector<16x1xi32>
    %gather3A_398 = vector.shape_cast %reshape3A_397 : vector<16x1xi32> to vector<16xi32>
    %gather3A_399 = tpu.dynamic_gather %add3A_92[%gather3A_398] in [0] : vector<16xf32>, vector<16xi32> -> vector<16xf32>
    %swap3A_400 = arith.constant 480 : index
    %swap3A_401 = tpu.vector_load %arg7[%swap3A_400] {strides = array<i32>} : memref<512xf32, #tpu.memory_space<vmem>>, vector<16xf32>,
    %swap3A_402 = vector.shape_cast %swap3A_401 : vector<16xf32> to vector<16xf32>
    %swap3A_403 = vector.shape_cast %gather3A_399 : vector<16xf32> to vector<16xf32>
    tpu.vector_store %arg7[%swap3A_400], %swap3A_403 {strides = array<i32>} : memref<512xf32, #tpu.memory_space<vmem>>, vector<16xf32>,
    %get3A_404 = arith.constant 496 : index
    %get3A_405 = tpu.vector_load %arg6[%get3A_404] {strides = array<i32>} : memref<512xi32, #tpu.memory_space<vmem>>, vector<16xi32>,
    %get3A_406 = vector.shape_cast %get3A_405 : vector<16xi32> to vector<16xi32>
    %reshape3A_407 = vector.shape_cast %get3A_406 : vector<16xi32> to vector<16x1xi32>
    %gather3A_408 = vector.shape_cast %reshape3A_407 : vector<16x1xi32> to vector<16xi32>
    %gather3A_409 = tpu.dynamic_gather %add3A_92[%gather3A_408] in [0] : vector<16xf32>, vector<16xi32> -> vector<16xf32>
    %swap3A_410 = arith.constant 496 : index
    %swap3A_411 = tpu.vector_load %arg7[%swap3A_410] {strides = array<i32>} : memref<512xf32, #tpu.memory_space<vmem>>, vector<16xf32>,
    %swap3A_412 = vector.shape_cast %swap3A_411 : vector<16xf32> to vector<16xf32>
    %swap3A_413 = vector.shape_cast %gather3A_409 : vector<16xf32> to vector<16xf32>
    tpu.vector_store %arg7[%swap3A_410], %swap3A_413 {strides = array<i32>} : memref<512xf32, #tpu.memory_space<vmem>>, vector<16xf32>,
    "tpu.region"() ({
      %run_scoped3A = tpu.sem_alloc : memref<!tpu.dma_semaphore, #tpu.memory_space<semaphore_mem>>
      %dma_start3A = tpu.memref_slice %arg4[%mul3A_96] : memref<16384xf32, #tpu.memory_space<hbm>> -> memref<512xf32, #tpu.memory_space<hbm>>
      %dma_start3A_414 = tpu.memref_slice %arg4[%mul3A_96] : memref<16384xf32, #tpu.memory_space<hbm>> -> memref<512xf32, #tpu.memory_space<hbm>>
      tpu.enqueue_dma source(%arg7 : memref<512xf32, #tpu.memory_space<vmem>>) target(%dma_start3A_414 : memref<512xf32, #tpu.memory_space<hbm>>) target_semaphore(%run_scoped3A : memref<!tpu.dma_semaphore, #tpu.memory_space<semaphore_mem>>)
      %dma_wait3A = tpu.memref_slice %arg4[%mul3A_96] : memref<16384xf32, #tpu.memory_space<hbm>> -> memref<512xf32, #tpu.memory_space<hbm>>
      %dma_wait3A_415 = tpu.memref_slice %arg4[%mul3A_96] : memref<16384xf32, #tpu.memory_space<hbm>> -> memref<512xf32, #tpu.memory_space<hbm>>
      tpu.wait_dma2 semaphore(%run_scoped3A : memref<!tpu.dma_semaphore, #tpu.memory_space<semaphore_mem>>) src(%arg7 : memref<512xf32, #tpu.memory_space<vmem>>) dst(%dma_wait3A_415 : memref<512xf32, #tpu.memory_space<hbm>>)
      tpu.yield
    }) : () -> ()
    return
  }
}

module attributes {stable_mosaic.version = 14 : i64} {
  func.func @_pass_a(%arg0: i32, %arg1: memref<1024x2048xf32, #tpu.memory_space<vmem>>, %arg2: memref<2048x640xbf16, #tpu.memory_space<vmem>>, %arg3: memref<1x1024x1xi32, #tpu.memory_space<vmem>>, %arg4: memref<1024x512xbf16, #tpu.memory_space<vmem>>, %arg5: memref<1024x1xf32, #tpu.memory_space<vmem>>, %arg6: memref<1x1x16xf32, #tpu.memory_space<vmem>>) attributes {dimension_semantics = [#tpu.dimension_semantics<parallel>], iteration_bounds = array<i64: 16>, scalar_prefetch = 0 : i64, scratch_operands = 0 : i64, tpu.core_type = #tpu.core_type<tc>, window_params = [{transform_indices = @transform_0, window_bounds = array<i64: 1024, 2048>}, {pipeline_mode = #tpu.pipeline_mode<synchronous>, transform_indices = @transform_1, window_bounds = array<i64: 2048, 640>}, {transform_indices = @transform_2, window_bounds = array<i64: 1, 1024, 1>}, {transform_indices = @transform_3, window_bounds = array<i64: 1024, 512>}, {transform_indices = @transform_4, window_bounds = array<i64: 1024, 1>}, {transform_indices = @transform_5, window_bounds = array<i64: 1, 1, 16>}]} {
    %get3A = arith.constant 0 : index
    %get3A_0 = arith.constant 0 : index
    %get3A_1 = vector.load %arg1[%get3A, %get3A_0] : memref<1024x2048xf32, #tpu.memory_space<vmem>>, vector<1024x2048xf32>
    %convert_element_type3A = arith.truncf %get3A_1 : vector<1024x2048xf32> to vector<1024x2048xbf16>
    %get3A_2 = arith.constant 0 : index
    %get3A_3 = arith.constant 0 : index
    %get3A_4 = vector.load %arg2[%get3A_2, %get3A_3] : memref<2048x640xbf16, #tpu.memory_space<vmem>>, vector<2048x640xbf16>
    %dot_general3A = arith.constant dense<0.000000e+00> : vector<1024x640xf32>
    %dot_general3A_5 = tpu.matmul %convert_element_type3A, %get3A_4, %dot_general3A {dimension_numbers = #tpu.dot_dimension_numbers<[1], [0], [0], [1], [0, 0, 1, 1], [], []>, transpose_lhs_hint = false} : vector<1024x2048xbf16>, vector<2048x640xbf16>, vector<1024x640xf32> -> vector<1024x640xf32>
    %slice3A = vector.extract_strided_slice %dot_general3A_5 {offsets = [0, 0], sizes = [1024, 512], strides = [1, 1]} : vector<1024x640xf32> to vector<1024x512xf32>
    %convert_element_type3A_6 = arith.truncf %slice3A : vector<1024x512xf32> to vector<1024x512xbf16>
    %swap3A = arith.constant 0 : index
    %swap3A_7 = arith.constant 0 : index
    %swap3A_8 = vector.load %arg4[%swap3A, %swap3A_7] : memref<1024x512xbf16, #tpu.memory_space<vmem>>, vector<1024x512xbf16>
    tpu.vector_store %arg4[%swap3A, %swap3A_7], %convert_element_type3A_6 {strides = array<i32>} : memref<1024x512xbf16, #tpu.memory_space<vmem>>, vector<1024x512xbf16>,
    %slice3A_9 = vector.extract_strided_slice %dot_general3A_5 {offsets = [0, 512], sizes = [1024, 1], strides = [1, 1]} : vector<1024x640xf32> to vector<1024x1xf32>
    %swap3A_10 = arith.constant 0 : index
    %swap3A_11 = arith.constant 0 : index
    %swap3A_12 = vector.load %arg5[%swap3A_10, %swap3A_11] : memref<1024x1xf32, #tpu.memory_space<vmem>>, vector<1024x1xf32>
    tpu.vector_store %arg5[%swap3A_10, %swap3A_11], %slice3A_9 {strides = array<i32>} : memref<1024x1xf32, #tpu.memory_space<vmem>>, vector<1024x1xf32>,
    %get3A_13 = arith.constant 0 : index
    %get3A_14 = arith.constant 0 : index
    %get3A_15 = arith.constant 0 : index
    %get3A_16 = vector.load %arg3[%get3A_13, %get3A_14, %get3A_15] : memref<1x1024x1xi32, #tpu.memory_space<vmem>>, vector<1x1024x1xi32>
    %get3A_17 = vector.shape_cast %get3A_16 : vector<1x1024x1xi32> to vector<1024x1xi32>
    %iota3A = tpu.iota {dimensions = array<i32: 1>} : vector<1024x16xi32>
    %eq3A = vector.broadcast %get3A_17 : vector<1024x1xi32> to vector<1024x16xi32>
    %eq3A_18 = arith.cmpi eq, %eq3A, %iota3A : vector<1024x16xi32>
    %exp3A = math.exp %slice3A_9 : vector<1024x1xf32>
    %jit3A = arith.constant 0.000000e+00 : f32
    %broadcast_in_dim3A = vector.shape_cast %exp3A : vector<1024x1xf32> to vector<1024x1xf32>
    %broadcast_in_dim3A_19 = vector.broadcast %broadcast_in_dim3A : vector<1024x1xf32> to vector<1024x16xf32>
    %broadcast_in_dim3A_20 = vector.broadcast %jit3A : f32 to vector<1024x16xf32>
    %select_n3A = arith.select %eq3A_18, %broadcast_in_dim3A_19, %broadcast_in_dim3A_20 : vector<1024x16xi1>, vector<1024x16xf32>
    %reduce_sum3A = arith.constant dense<0.000000e+00> : vector<16xf32>
    %reduce_sum3A_21 = vector.multi_reduction <add>, %select_n3A, %reduce_sum3A [0] : vector<1024x16xf32> to vector<16xf32>
    %reshape3A = vector.shape_cast %reduce_sum3A_21 : vector<16xf32> to vector<1x1x16xf32>
    %swap3A_22 = arith.constant 0 : index
    %swap3A_23 = arith.constant 0 : index
    %swap3A_24 = arith.constant 0 : index
    %swap3A_25 = vector.load %arg6[%swap3A_22, %swap3A_23, %swap3A_24] : memref<1x1x16xf32, #tpu.memory_space<vmem>>, vector<1x1x16xf32>
    tpu.vector_store %arg6[%swap3A_22, %swap3A_23, %swap3A_24], %reshape3A {strides = array<i32>} : memref<1x1x16xf32, #tpu.memory_space<vmem>>, vector<1x1x16xf32>,
    return
  }
  func.func @transform_0(%arg0: i32) -> (i32, i32) {
    %c0_i32 = arith.constant 0 : i32
    %c0_i32_0 = arith.constant 0 : i32
    return %arg0, %c0_i32 : i32, i32
  }
  func.func @transform_1(%arg0: i32) -> (i32, i32) {
    %c0_i32 = arith.constant 0 : i32
    %c0_i32_0 = arith.constant 0 : i32
    %c0_i32_1 = arith.constant 0 : i32
    return %c0_i32, %c0_i32_0 : i32, i32
  }
  func.func @transform_2(%arg0: i32) -> (i32, i32, i32) {
    %c0_i32 = arith.constant 0 : i32
    %c0_i32_0 = arith.constant 0 : i32
    %c0_i32_1 = arith.constant 0 : i32
    return %arg0, %c0_i32, %c0_i32_0 : i32, i32, i32
  }
  func.func @transform_3(%arg0: i32) -> (i32, i32) {
    %c0_i32 = arith.constant 0 : i32
    %c0_i32_0 = arith.constant 0 : i32
    return %arg0, %c0_i32 : i32, i32
  }
  func.func @transform_4(%arg0: i32) -> (i32, i32) {
    %c0_i32 = arith.constant 0 : i32
    %c0_i32_0 = arith.constant 0 : i32
    return %arg0, %c0_i32 : i32, i32
  }
  func.func @transform_5(%arg0: i32) -> (i32, i32, i32) {
    %c0_i32 = arith.constant 0 : i32
    %c0_i32_0 = arith.constant 0 : i32
    %c0_i32_1 = arith.constant 0 : i32
    return %arg0, %c0_i32, %c0_i32_0 : i32, i32, i32
  }
}

module attributes {stable_mosaic.version = 14 : i64} {
  func.func @_pass_c(%arg0: i32, %arg1: memref<4096x512xbf16, #tpu.memory_space<vmem>>, %arg2: memref<4096x1xf32, #tpu.memory_space<vmem>>, %arg3: memref<4096x1xf32, #tpu.memory_space<vmem>>, %arg4: memref<4096x512xf32, #tpu.memory_space<vmem>>) attributes {dimension_semantics = [#tpu.dimension_semantics<parallel>], iteration_bounds = array<i64: 4>, scalar_prefetch = 0 : i64, scratch_operands = 0 : i64, tpu.core_type = #tpu.core_type<tc>, window_params = [{transform_indices = @transform_0, window_bounds = array<i64: 4096, 512>}, {transform_indices = @transform_1, window_bounds = array<i64: 4096, 1>}, {transform_indices = @transform_2, window_bounds = array<i64: 4096, 1>}, {transform_indices = @transform_3, window_bounds = array<i64: 4096, 512>}]} {
    %get3A = arith.constant 0 : index
    %get3A_0 = arith.constant 0 : index
    %get3A_1 = vector.load %arg1[%get3A, %get3A_0] : memref<4096x512xbf16, #tpu.memory_space<vmem>>, vector<4096x512xbf16>
    %convert_element_type3A = arith.extf %get3A_1 : vector<4096x512xbf16> to vector<4096x512xf32>
    %exp3A = math.exp %convert_element_type3A : vector<4096x512xf32>
    %reduce_sum3A = arith.constant dense<0.000000e+00> : vector<4096xf32>
    %reduce_sum3A_2 = vector.multi_reduction <add>, %exp3A, %reduce_sum3A [1] : vector<4096x512xf32> to vector<4096xf32>
    %broadcast_in_dim3A = vector.shape_cast %reduce_sum3A_2 : vector<4096xf32> to vector<4096x1xf32>
    %get3A_3 = arith.constant 0 : index
    %get3A_4 = arith.constant 0 : index
    %get3A_5 = vector.load %arg2[%get3A_3, %get3A_4] : memref<4096x1xf32, #tpu.memory_space<vmem>>, vector<4096x1xf32>
    %get3A_6 = arith.constant 0 : index
    %get3A_7 = arith.constant 0 : index
    %get3A_8 = vector.load %arg3[%get3A_6, %get3A_7] : memref<4096x1xf32, #tpu.memory_space<vmem>>, vector<4096x1xf32>
    %mul3A = arith.mulf %broadcast_in_dim3A, %get3A_8 : vector<4096x1xf32>
    %log3A = math.log %mul3A : vector<4096x1xf32>
    %sub3A = arith.subf %get3A_5, %log3A : vector<4096x1xf32>
    %add3A = vector.broadcast %sub3A : vector<4096x1xf32> to vector<4096x512xf32>
    %add3A_9 = arith.addf %convert_element_type3A, %add3A : vector<4096x512xf32>
    %swap3A = arith.constant 0 : index
    %swap3A_10 = arith.constant 0 : index
    %swap3A_11 = vector.load %arg4[%swap3A, %swap3A_10] : memref<4096x512xf32, #tpu.memory_space<vmem>>, vector<4096x512xf32>
    tpu.vector_store %arg4[%swap3A, %swap3A_10], %add3A_9 {strides = array<i32>} : memref<4096x512xf32, #tpu.memory_space<vmem>>, vector<4096x512xf32>,
    return
  }
  func.func @transform_0(%arg0: i32) -> (i32, i32) {
    %c0_i32 = arith.constant 0 : i32
    %c0_i32_0 = arith.constant 0 : i32
    return %arg0, %c0_i32 : i32, i32
  }
  func.func @transform_1(%arg0: i32) -> (i32, i32) {
    %c0_i32 = arith.constant 0 : i32
    %c0_i32_0 = arith.constant 0 : i32
    return %arg0, %c0_i32 : i32, i32
  }
  func.func @transform_2(%arg0: i32) -> (i32, i32) {
    %c0_i32 = arith.constant 0 : i32
    %c0_i32_0 = arith.constant 0 : i32
    return %arg0, %c0_i32 : i32, i32
  }
  func.func @transform_3(%arg0: i32) -> (i32, i32) {
    %c0_i32 = arith.constant 0 : i32
    %c0_i32_0 = arith.constant 0 : i32
    return %arg0, %c0_i32 : i32, i32
  }
}

</mosaic_0001>

<sc_bundles>
// kernel: kernel.5.cloned.1.call-start
scs
__scs_entry_jumppad:
0x0: {  	(pc) =	sbr.rel $0x88, $3  }
0x1: {  	(tag) =	ssettag $0x0;
	lr =	simm.s32 $0x1  }
0x2: {  	[smem:$0x3F9D] =	sst lr;
	_ =	strace $0xD0000000  }
0x3: {  	_ = 	snop  }
0x4: {  	_ = 	snop  }
0x5: {  	_ = 	snop  }
0x6: {  	_ = 	snop  }
0x7: {  	_ = 	snop  }
__scs_overlays_trampoline_lowered:
0x8: {  	[smem:$0x3FAC] =	sst s0  }
0x9: {  	[smem:$0x3FAD] =	sst s1  }
0xa: {  	[smem:$0x3FAE] =	sst s2  }
0xb: {  	[smem:$0x3FAF] =	sst s3  }
0xc: {  	[smem:$0x3FB0] =	sst s4  }
0xd: {  	[smem:$0x3FB1] =	sst s5  }
0xe: {  	[smem:$0x3FB2] =	sst s6  }
0xf: {  	[smem:$0x3FB3] =	sst s7  }
0x10: {  	[smem:$0x3FB4] =	sst s8  }
0x11: {  	[smem:$0x3FB5] =	sst s9;
	s0 =	simm.s32 @!p0 $0x0  }
0x12: {  	s1 =	sld [smem:$0x3F9B];
	s0 =	simm.s32 @p0 $0x1  }
0x13: {  	[smem:$0x3FB6] =	sst s0;
	s0 =	simm.s32 @!p1 $0x0  }
0x14: {  	s2 =	sld [smem:$0x3F9A];
	s0 =	simm.s32 @p1 $0x1  }
0x15: {  	[smem:$0x3FB7] =	sst s0;
	s0 =	simm.s32 @!p2 $0x0  }
0x16: {  	s3 =	sld [smem:$0x3FDB];
	s0 =	simm.s32 @p2 $0x1  }
0x17: {  	s4 =	simm.s32 $0x1BF5;
	[smem:$0x3FB9] =	sst s0  }
0x18: {  	s0 =	sld [smem:$0x3F9C];
	_ =	swait.ge [sflag:s4], $0x0  }
0x19: {  	s7 =	sld [smem:$0x3F9D]  }
0x1a: {  	s8 =	sadd.s32 $0xFFFFE003, lr  }
0x1b: {  	s9 =	sadd.s32 $0xFFFFFEF7, lr;
	s5 =	simm.s32 $0xFFFFFFFF;
	p2 =	slt.u32 s8, $0xFFFFF086  }
0x1c: {  	p1 =	slt.u32 s9, $0xF7A;
	s5 =	simm.s32 @!p2 $0x0  }
0x1d: {  	s5 =	simm.s32 @p1 $0x1;
	p0 =	seq.s32 s7, s2  }
0x1e: {  	s7 =	smul.u32 @!p0 $0xF7A, s2;
	p2 =	seq.s32 @!p0 s5, $0x0  }
0x1f: {  	s9 =	smul.u32 $0xF7A, s1;
	s8 =	simm.s32 @!p0 $0x1BF5;
	p2 =	por !p2, p0  }
0x20: {  	[sflag:s8] =	ssyncset.s32 @!p0 $0xFFFFF086;
	s6 =	sadd.s32 @!p0 s3, s7;
	s7 =	simm.s32 @!p0 $0x108  }
0x21: {  	s3 =	sadd.s32 s3, s9;
	s6 =	sadd.s32 @!p0 $0x88, s6;
	s7 =	simm.s32 @p2 $0x1082  }
0x22: {  	[simem:s7], [sflag:s8] =	dma.local @!p0 [hbm:s6], $0xF7A  }
0x23: {  	s9 =	sor.u32 $0xD0000000, s2;
	s6 =	simm.s32 $0x108;
	_ =	swait.ge @!p0 [sflag:s8], $0x0  }
0x24: {  	s3 =	sadd.s32 $0x88, s3;
	s6 =	simm.s32 @!p1 $0x1082;
	[sflag:s4] =	ssyncset.s32 $0xFFFFF086  }
0x25: {  	[simem:s6], [sflag:s4] =	dma.local [hbm:s3], $0xF7A  }
0x26: {  	[smem:$0x3F9D] =	sst s1;
	(tag) =	ssettag s2;
	_ =	strace s9  }
0x27: {  	s1 =	sld [smem:$0x3FAD]  }
0x28: {  	s2 =	sld [smem:$0x3FAE]  }
0x29: {  	s4 =	sld [smem:$0x3FB0]  }
0x2a: {  	p0 =	seq.s32 s5, $0x0;
	s5 =	sld [smem:$0x3FB1]  }
0x2b: {  	s6 =	sld [smem:$0x3FB2]  }
0x2c: {  	s7 =	sld [smem:$0x3FB3]  }
0x2d: {  	s3 =	simm.s32 $0x108;
	s8 =	sld [smem:$0x3FB4]  }
0x2e: {  	s3 =	simm.s32 @!p0 $0x1082;
	s9 =	sld [smem:$0x3FB5]  }
0x2f: {  	lr =	sadd.s32 s0, s3;
	s0 =	sld [smem:$0x3FAC]  }
0x30: {  	s3 =	sld [smem:$0x3FAF]  }
0x31: {  	[smem:$0x3FB8] =	sst s10  }
0x32: {  	s10 =	sld [smem:$0x3FB6];
	_ =	sdelay $0x3  }
0x33: {  	p0 =	seq.s32 s10, $0x1;
	s10 =	sld [smem:$0x3FB8];
	_ =	sdelay $0x3  }
0x34: {  	[smem:$0x3FB8] =	sst s10  }
0x35: {  	s10 =	sld [smem:$0x3FB7];
	_ =	sdelay $0x3  }
0x36: {  	p1 =	seq.s32 s10, $0x1;
	s10 =	sld [smem:$0x3FB8];
	_ =	sdelay $0x3  }
0x37: {  	[smem:$0x3FB8] =	sst s10  }
0x38: {  	s10 =	sld [smem:$0x3FB9]  }
0x39: {  	_ = 	snop;
	(pc) =	sbr.ind lr, $3  }
0x3a: {  	_ = 	snop  }
0x3b: {  	_ = 	snop  }
0x3c: {  	p2 =	seq.s32 s10, $0x1;
	s10 =	sld [smem:$0x3FB8]  }
0x3d: {  	_ =	shalt  }
0x3e: {  	_ =	shalt  }
0x3f: {  	_ =	shalt  }
0x40: {  	_ =	shalt  }
0x41: {  	_ =	shalt  }
0x42: {  	_ =	shalt  }
0x43: {  	_ =	shalt  }
0x44: {  	_ =	shalt  }
0x45: {  	_ =	shalt  }
0x46: {  	_ =	shalt  }
0x47: {  	_ =	shalt  }
0x48: {  	_ =	shalt  }
0x49: {  	_ =	shalt  }
0x4a: {  	_ =	shalt  }
0x4b: {  	_ =	shalt  }
0x4c: {  	_ =	shalt  }
0x4d: {  	_ =	shalt  }
0x4e: {  	_ =	shalt  }
0x4f: {  	_ =	shalt  }
0x50: {  	_ =	shalt  }
0x51: {  	_ =	shalt  }
0x52: {  	_ =	shalt  }
0x53: {  	_ =	shalt  }
0x54: {  	_ =	shalt  }
0x55: {  	_ =	shalt  }
0x56: {  	_ =	shalt  }
0x57: {  	_ =	shalt  }
0x58: {  	_ =	shalt  }
0x59: {  	_ =	shalt  }
0x5a: {  	_ =	shalt  }
0x5b: {  	_ =	shalt  }
0x5c: {  	_ =	shalt  }
0x5d: {  	_ =	shalt  }
0x5e: {  	_ =	shalt  }
0x5f: {  	_ =	shalt  }
0x60: {  	_ =	shalt  }
0x61: {  	_ =	shalt  }
0x62: {  	_ =	shalt  }
0x63: {  	_ =	shalt  }
0x64: {  	_ =	shalt  }
0x65: {  	_ =	shalt  }
0x66: {  	_ =	shalt  }
0x67: {  	_ =	shalt  }
0x68: {  	_ =	shalt  }
0x69: {  	_ =	shalt  }
0x6a: {  	_ =	shalt  }
0x6b: {  	_ =	shalt  }
0x6c: {  	_ =	shalt  }
0x6d: {  	_ =	shalt  }
0x6e: {  	_ =	shalt  }
0x6f: {  	_ =	shalt  }
0x70: {  	_ =	shalt  }
0x71: {  	_ =	shalt  }
0x72: {  	_ =	shalt  }
0x73: {  	_ =	shalt  }
0x74: {  	_ =	shalt  }
0x75: {  	_ =	shalt  }
0x76: {  	_ =	shalt  }
0x77: {  	_ =	shalt  }
0x78: {  	_ =	shalt  }
0x79: {  	_ =	shalt  }
0x7a: {  	_ =	shalt  }
0x7b: {  	_ =	shalt  }
0x7c: {  	_ =	shalt  }
0x7d: {  	_ =	shalt  }
0x7e: {  	_ =	shalt  }
0x7f: {  	_ =	shalt  }
0x80: {  	_ =	shalt  }
0x81: {  	_ =	shalt  }
0x82: {  	_ =	shalt  }
0x83: {  	_ =	shalt  }
0x84: {  	_ =	shalt  }
0x85: {  	_ =	shalt  }
0x86: {  	_ =	shalt  }
0x87: {  	_ =	shalt  }
.Lfunc_end0:
.L_simem_size_0:
called_computation_lowered:
.L_overlay_start_0:
0x88: {  	s2 =	sld [smem:$0x3FD9]  }
0x89: {  	s3 =	sld [smem:$0x3FFE];
	_ =	sdelay $0x1  }
0x8a: {  	s1 =	srdreg.scid  }
0x8b: {  	s0 =	sand.u32 $0x1, s1  }
0x8c: {  	s17 =	sshll.u32 s0, $0xA;
	s2 =	sadd.s32 s3, s2  }
0x8d: {  	s2 =	sadd.s32 s2, s17  }
0x8e: {  	[smem:$0x3FC4] =	sst s2  }
0x8f: {  	_ = 	snop  }
0x90: {  	s2 =	sld [smem:$0x3FC8]  }
0x91: {  	s18 =	sld [smem:$0x3FD0];
	(tm) =	ssettm $0x1  }
0x92: {  	s4 =	sld [smem:$0x3FFB];
	_ =	sdelay $0x3  }
0x93: {  	_ =	strace s4  }
0x94: {  	s4 =	sld [smem:$0x3FFC];
	_ =	sdelay $0x3  }
0x95: {  	_ =	strace s4  }
0x96: {  	s4 =	sld [smem:$0x3FFD];
	_ =	sdelay $0x3  }
0x97: {  	_ =	strace s4  }
0x98: {  	_ =	strace $0x8FFFFFFF  }
0x99: {  	s19 =	sld [smem:$0x3FDB];
	_ =	sdelay $0x1  }
0x9a: {  	s5 =	simm.s32 $_scs_section_size  }
0x9b: {  	s6 =	simm.s32 $_size__tile_overlayer_lowered;
	s7 =	simm.s32 $_tile_overlayer_lowered  }
0x9c: {  	s22 =	simm.s32 $0x1BFF;
	s21 =	sshll.u32 s7, $0x1;
	s4 =	sadd.s32 s5, s19  }
0x9d: {  	s8 =	simm.s32 $0x0;
	s20 =	sshll.u32 s6, $0x1;
	s6 =	sadd.s32 s21, s4  }
0x9e: {  	[timem:s8], [sflag:s22] =	dma.local [hbm:s6], s20  }
0x9f: {  	_ =	swait.ge [sflag:s22], s20  }
0xa0: {  	s5 =	ssub.s32 $0x0, s20;
	[sflag:s22] =	ssyncset.done $0x0  }
0xa1: {  	[sflag:s22] =	ssyncadd.s32 s5;
	_ =	sdelay $0x1  }
0xa2: {  	s23 =	simm.s32 $0x1B8B  }
0xa3: {  	_ =	swait.ge [sflag:s23], $0x1  }
0xa4: {  	[sflag:s23] =	ssyncset.done $0x0  }
0xa5: {  	s25 =	simm.s32 $0x1B8E;
	s24 =	sld [smem:$0x3FFE];
	[sflag:s23] =	ssyncadd.s32 $0xFFFFFFFF  }
0xa6: {  	s26 =	simm.s32 $execute0_lowered;
	[smem:$0x3FD2] =	sst s25  }
0xa7: {  	s6 =	sshll.u32 s26, $0x1;
	_ =	strace $0x80000046;
	[dreg:$0x1] =	wrdreg $0xFFFFFFFF  }
0xa8: {  	s28 =	simm.s32 $_size_execute0_lowered;
	s4 =	sadd.s32 s4, s6;
	[dreg:$0x0] =	wrdreg $0x0  }
0xa9: {  	s6 =	sshll.u32 s28, $0x1;
	[dreg:$0x2] =	wrdreg s4  }
0xaa: {  	[dreg:$0x3] =	wrdreg s6  }
0xab: {  	[dreg:$0x4] =	wrdreg $0xC0  }
0xac: {  	_ =	task [dreg:s8], $0x5FFFF  }
0xad: {  	[dreg:$0x1] =	wrdreg $0xFFFFFFFF  }
0xae: {  	[dreg:$0x0] =	wrdreg $0x60  }
0xaf: {  	[dreg:$0x2] =	wrdreg s24  }
0xb0: {  	[dreg:$0x3] =	wrdreg s2  }
0xb1: {  	[dreg:$0x4] =	wrdreg s18  }
0xb2: {  	[dreg:$0x5] =	wrdreg $0x9  }
0xb3: {  	_ =	task.clear_ibuf [dreg:s8], $0x6FFFF;
	_ =	strace $0x90000046  }
0xb4: {  	s29 =	simm.s32 $0x9;
	_ =	strace $0x80000048  }
0xb5: {  	_ =	swait.ge [sflag:s29], $0x1  }
0xb6: {  	[sflag:s29] =	ssyncadd.s32 $0xFFFFFFFF  }
0xb7: {  	_ =	strace $0x90000048  }
0xb8: {  	_ =	sfence  }
0xb9: {  	s30 =	sld [smem:$0x0];
	_ =	sdelay $0x2  }
0xba: {  	s31 =	sshll.u32 s1, $0xD;
	s1 =	sshrl.u32 s1, $0x2  }
0xbb: {  	s3 =	sand.u32 $0x4000, s31;
	s1 =	sadd.s32 s1, s30  }
0xbc: {  	s0 =	sor.u32 s3, s0;
	s1 =	sshll.u32 s1, $0x11  }
0xbd: {  	s0 =	sor.u32 s1, s0  }
0xbe: {  	s0 =	sadd.s32 $0x8F2B, s0  }
0xbf: {  	[sflag:s0] =	ssyncadd.remote.s32 $0x1  }
0xc0: {  	_ =	sfence.sel $0xFFFF  }
0xc1: {  	[dreg:$0x0] =	wrdreg $0xFFFFFFFF;
	(pc) =	sbr.abs _section_cstart, $3  }
0xc2: {  	[dreg:$0x1] =	wrdreg $0xFFFFFFFF  }
0xc3: {  	_ =	task.clear_ibuf [dreg:s8], $0x2FFFF;
	_ =	strace $0x9FFFFFFF  }
0xc4: {  	(tm) =	ssettm $0x7FFFFFFF  }
0xc5: {  	_ =	shalt  }
tec
execute0_lowered:
.L_overlay_start_1:
0x0: {  	(tag) =	ssettag $0x1  }
0x1: {  	s3 =	rddreg [dreg:$0x0]  }
0x2: {  	s4 =	rddreg [dreg:$0x1]  }
0x3: {  	s5 =	rddreg [dreg:$0x2]  }
0x4: {  	s0 =	rddreg [dreg:$0x3];
	s1 =	simm.s32 $0x0;
	s2 =	srdreg.scid  }
0x5: {  	[smem:$0x7FF] =	sst s1;
	s6 =	sand.u32 $0x1, s2  }
0x6: {  	s2 =	stileid.u32;
	s3 =	sadd.s32 $0x80A00, s3;
	_ =	strace $0x80000047  }
0x7: {  	s7 =	ssub.s32 $0x2, s6;
	s9 =	sshll.u32 s2, $0x7;
	s6 =	sshll.u32 s6, $0x6  }
0x8: {  	s8 =	sshrl.u32 s7, $0x1;
	s6 =	sor.u32 s6, s9;
	s9 =	simm.s32 $0xA00  }
0x9: {  	s7 =	ssub.s32 s7, s8;
	s4 =	sadd.s32 s4, s6;
	s5 =	sadd.s32 s5, s6  }
0xa: {  	s8 =	simm.s32 $0x800;
	s6 =	smax.u32 s7, $0x1;
	s7 =	simm.s32 $0x1  }
.LBB2_1:
0xb: {  	[tilespmem:s1], [sflag:$0x1] =	stream.linear.gather [hbm4b:s3+s1], $0x800, $0x38;
	[tilespmem:$0xC00] =	vst v63  }
0xc: {  	_ =	swait.ge [sflag:s7], $0x800  }
0xd: {  	[sflag:s7] =	ssyncset.done $0x0  }
0xe: {  	[sflag:s7] =	ssyncadd.s32 $0xFFFFF800  }
0xf: {  	v0 =	vld [tilespmem:$0x0]  }
0x10: {  	v1 =	vld [tilespmem:$0x80];
	_ =	sdelay $0x1  }
0x11: {  	v2 =	vld [tilespmem:$0x100];
	_ =	sdelay $0x1  }
0x12: {  	v3 =	vld [tilespmem:$0x180]  }
0x13: {  	v0 =	vadd.f32 v1, v0  }
0x14: {  	v51 =	vld [tilespmem:$0x200]  }
0x15: {  	v0 =	vadd.f32 v2, v0  }
0x16: {  	v52 =	vld [tilespmem:$0x280]  }
0x17: {  	v0 =	vadd.f32 v3, v0  }
0x18: {  	v53 =	vld [tilespmem:$0x300]  }
0x19: {  	v0 =	vadd.f32 v51, v0  }
0x1a: {  	v54 =	vld [tilespmem:$0x380]  }
0x1b: {  	v0 =	vadd.f32 v52, v0  }
0x1c: {  	v55 =	vld [tilespmem:$0x400]  }
0x1d: {  	v0 =	vadd.f32 v53, v0  }
0x1e: {  	v56 =	vld [tilespmem:$0x480]  }
0x1f: {  	v0 =	vadd.f32 v54, v0  }
0x20: {  	v57 =	vld [tilespmem:$0x500]  }
0x21: {  	v0 =	vadd.f32 v55, v0  }
0x22: {  	v58 =	vld [tilespmem:$0x580]  }
0x23: {  	v0 =	vadd.f32 v56, v0  }
0x24: {  	v59 =	vld [tilespmem:$0x600]  }
0x25: {  	v0 =	vadd.f32 v57, v0  }
0x26: {  	v60 =	vld [tilespmem:$0x680]  }
0x27: {  	v4 =	vld [tilespmem:$0x700];
	v0 =	vadd.f32 v58, v0  }
0x28: {  	v61 =	vld [tilespmem:$0x780];
	[tilespmem:s8], [sflag:$0x1] =	stream.linear.gather [hbm4b:s4+s1], $0x200, $0x38  }
0x29: {  	_ =	swait.ge [sflag:s7], $0x200;
	v0 =	vadd.f32 v59, v0  }
0x2a: {  	[sflag:s7] =	ssyncset.done $0x0  }
0x2b: {  	[sflag:s7] =	ssyncadd.s32 $0xFFFFFE00;
	v0 =	vadd.f32 v60, v0  }
0x2c: {  	v62 =	vld [tilespmem:$0x800]  }
0x2d: {  	v63 =	vld [tilespmem:$0x810];
	v0 =	vadd.f32 v4, v0  }
0x2e: {  	v9 =	vld [tilespmem:$0x820]  }
0x2f: {  	v10 =	vld [tilespmem:$0x830];
	v0 =	vadd.f32 v61, v0  }
0x30: {  	v5 =	vld [tilespmem:$0x840]  }
0x31: {  	v6 =	vld [tilespmem:$0x850];
	v1 =	vperm.xlane v0, v62  }
0x32: {  	v7 =	vld [tilespmem:$0x860];
	v3 =	vperm.xlane v0, v63  }
0x33: {  	v12 =	vld [tilespmem:$0x870];
	v11 =	vperm.xlane v0, v9;
	[tilespmem:$0xA00] =	vst v1  }
0x34: {  	v13 =	vld [tilespmem:$0x880];
	v2 =	vperm.xlane v0, v10;
	[tilespmem:$0xA10] =	vst v3  }
0x35: {  	v15 =	vld [tilespmem:$0x890];
	v14 =	vperm.xlane v0, v5;
	[tilespmem:$0xA20] =	vst v11  }
0x36: {  	v17 =	vld [tilespmem:$0x8A0];
	v16 =	vperm.xlane v0, v6;
	[tilespmem:$0xA30] =	vst v2  }
0x37: {  	v19 =	vld [tilespmem:$0x8B0];
	v18 =	vperm.xlane v0, v7;
	[tilespmem:$0xA40] =	vst v14  }
0x38: {  	v21 =	vld [tilespmem:$0x8C0];
	v20 =	vperm.xlane v0, v12;
	[tilespmem:$0xA50] =	vst v16  }
0x39: {  	v23 =	vld [tilespmem:$0x8D0];
	v22 =	vperm.xlane v0, v13;
	[tilespmem:$0xA60] =	vst v18  }
0x3a: {  	v25 =	vld [tilespmem:$0x8E0];
	v24 =	vperm.xlane v0, v15;
	[tilespmem:$0xA70] =	vst v20  }
0x3b: {  	v27 =	vld [tilespmem:$0x8F0];
	v26 =	vperm.xlane v0, v17;
	[tilespmem:$0xA80] =	vst v22  }
0x3c: {  	v29 =	vld [tilespmem:$0x900];
	v28 =	vperm.xlane v0, v19;
	[tilespmem:$0xA90] =	vst v24  }
0x3d: {  	v31 =	vld [tilespmem:$0x910];
	v30 =	vperm.xlane v0, v21;
	[tilespmem:$0xAA0] =	vst v26  }
0x3e: {  	v33 =	vld [tilespmem:$0x920];
	v32 =	vperm.xlane v0, v23;
	[tilespmem:$0xAB0] =	vst v28  }
0x3f: {  	v35 =	vld [tilespmem:$0x930];
	v34 =	vperm.xlane v0, v25;
	[tilespmem:$0xAC0] =	vst v30  }
0x40: {  	v37 =	vld [tilespmem:$0x940];
	v36 =	vperm.xlane v0, v27;
	[tilespmem:$0xAD0] =	vst v32  }
0x41: {  	v39 =	vld [tilespmem:$0x950];
	v38 =	vperm.xlane v0, v29;
	[tilespmem:$0xAE0] =	vst v34  }
0x42: {  	v41 =	vld [tilespmem:$0x960];
	v40 =	vperm.xlane v0, v31;
	[tilespmem:$0xAF0] =	vst v36  }
0x43: {  	v43 =	vld [tilespmem:$0x970];
	v42 =	vperm.xlane v0, v33;
	[tilespmem:$0xB00] =	vst v38  }
0x44: {  	v45 =	vld [tilespmem:$0x980];
	v44 =	vperm.xlane v0, v35;
	[tilespmem:$0xB10] =	vst v40  }
0x45: {  	v47 =	vld [tilespmem:$0x990];
	v46 =	vperm.xlane v0, v37;
	[tilespmem:$0xB20] =	vst v42  }
0x46: {  	v49 =	vld [tilespmem:$0x9A0];
	v48 =	vperm.xlane v0, v39;
	[tilespmem:$0xB30] =	vst v44  }
0x47: {  	v51 =	vld [tilespmem:$0x9B0];
	v50 =	vperm.xlane v0, v41;
	[tilespmem:$0xB40] =	vst v46  }
0x48: {  	v53 =	vld [tilespmem:$0x9C0];
	v52 =	vperm.xlane v0, v43;
	[tilespmem:$0xB50] =	vst v48  }
0x49: {  	v55 =	vld [tilespmem:$0x9D0];
	v54 =	vperm.xlane v0, v45;
	[tilespmem:$0xB60] =	vst v50  }
0x4a: {  	v57 =	vld [tilespmem:$0x9E0];
	v56 =	vperm.xlane v0, v47;
	[tilespmem:$0xB70] =	vst v52  }
0x4b: {  	v59 =	vld [tilespmem:$0x9F0];
	v58 =	vperm.xlane v0, v49;
	[tilespmem:$0xB80] =	vst v54  }
0x4c: {  	v60 =	vperm.xlane v0, v51;
	[tilespmem:$0xB90] =	vst v56  }
0x4d: {  	v61 =	vperm.xlane v0, v53;
	[tilespmem:$0xBA0] =	vst v58  }
0x4e: {  	v62 =	vperm.xlane v0, v55;
	[tilespmem:$0xBB0] =	vst v60  }
0x4f: {  	v63 =	vperm.xlane v0, v57;
	[tilespmem:$0xBC0] =	vst v61  }
0x50: {  	v0 =	vperm.xlane v0, v59;
	[tilespmem:$0xBD0] =	vst v62  }
0x51: {  	p0 =	sne.s32 s6, $0x1;
	[tilespmem:$0xBE0] =	vst v63  }
.Ltmp0:
0x52: {  	[tilespmem:$0xBF0] =	vst v0;
	(pc) =	sbr.rel @p0 .LBB2_1-.Ltmp0, $4  }
0x53: {  	[hbm4b:s5+s1] =	stream.linear.scatter [tilespmem:s9], [sflag:$0x1], $0x200, $0x38;
	[tilespmem:$0xC00] =	vst v63  }
0x54: {  	_ =	swait.ge [sflag:s7], $0x200  }
0x55: {  	[sflag:s7] =	ssyncset.done $0x0  }
0x56: {  	s6 =	sadd.s32 $0xFFFFFFFF, s6;
	[sflag:s7] =	ssyncadd.s32 $0xFFFFFE00  }
0x57: {  	_ =	sfence.sel $0x180000  }
0x58: {  	[bflag:$0x0] =	sbarrier.arrive $0xFFFF  }
0x59: {  	p0 =	sne.s32 s2, $0x0;
	_ =	strace $0x90000047  }
0x5a: {  	s0 =	sadd.s32 @!p0 $0x100000, s0;
	[bflag:$0x2] =	sbarrier.arrive $0xFFFF  }
0x5b: {  	[sflag:s0] =	ssyncadd.tile.s32 @!p0 $0x1;
	_ =	shalt  }
.Lfunc_end2:
_tile_overlayer_lowered:
.L_overlay_start_2:
0x5c: {  	(tag) =	ssettag $0x2  }
0x5d: {  	s0 =	rddreg [dreg:$0x0];
	s2 =	stileid.u32  }
0x5e: {  	s1 =	rddreg [dreg:$0x1];
	p0 =	sne.s32 s2, $0x0  }
0x5f: {  	s3 =	rddreg [dreg:$0x2];
	[bflag:$0x3] =	sbarrier.arrive $0xFFFF;
	s2 =	simm.s32 @!p0 $0x1C01  }
0x60: {  	[timem:s3], [sflag:s2] =	dma.local @!p0 [hbm:s0], s1  }
0x61: {  	s0 =	simm.s32 @!p0 $0x1  }
0x62: {  	_ =	swait.ge @!p0 [sflag:s0], s1  }
0x63: {  	s1 =	ssub.s32 @!p0 $0x0, s1;
	[sflag:s0] =	ssyncset.done @!p0 $0x0  }
0x64: {  	[sflag:s0] =	ssyncadd.s32 @!p0 s1  }
0x65: {  	[bflag:$0x3] =	sbarrier.arrive $0xFFFF  }
0x66: {  	_ =	shalt  }

</sc_bundles>
